<compile_context>
chip_gen: v7x
topology: tpu7x:2x2x1
jax: 0.10.2.dev20260603
libtpu: 0.0.44.dev20260713+nightly
codegen_flags: <defaults>
</compile_context>

<pallas_src>
import dataclasses

import jax
import jax.numpy as jnp
from jax import lax
from jax.experimental import pallas as pl
from jax.experimental.pallas import tpu as pltpu
from jax.experimental.pallas import tpu_sc as plsc

N = 10000
E = 160000
D = 256
NC = 2
NS = 16
PAD_N = 10240
HALF = PAD_N // NC
SUBROWS = HALF // NS
CHUNK = 500
NCHUNKS = E // CHUNK
ROWB = 400


def _vmesh():
    return plsc.VectorSubcoreMesh(core_axis_name="c", subcore_axis_name="s")



DCHUNK = 128
DNCHUNKS = E // DCHUNK


def _deg_body(dst_hbm, out_hbm, dstv, hist_v, sem):
    c = lax.axis_index("c")
    s = lax.axis_index("s")
    w = c * NS + s

    @pl.loop(0, PAD_N // 16)
    def _(i):
        hist_v[pl.ds(i * 16, 16)] = jnp.zeros((16,), jnp.float32)

    ones = jnp.ones((16,), jnp.float32)

    @pl.loop(0, 40)
    def _(j):
        chunk = w + j * NC * NS

        @pl.when(chunk < DNCHUNKS)
        def _():
            pltpu.sync_copy(dst_hbm.at[pl.ds(chunk * DCHUNK, DCHUNK)], dstv)
            for k in range(DCHUNK // 16):
                d = dstv[pl.ds(k * 16, 16)]
                plsc.addupdate_scatter(hist_v, [d], ones)

    pltpu.sync_copy(hist_v, out_hbm.at[w])


def _deg(dst):
    cp = pltpu.CompilerParams()
    if "needs_layout_passes" in pltpu.CompilerParams.__dataclass_fields__:
        cp = dataclasses.replace(cp, needs_layout_passes=False)
    kfn = pl.kernel(
        _deg_body,
        out_type=jax.ShapeDtypeStruct((NC * NS, PAD_N), jnp.float32),
        mesh=_vmesh(),
        compiler_params=cp,
        scratch_types=[
            pltpu.VMEM((DCHUNK,), jnp.int32),
            pltpu.VMEM((PAD_N,), jnp.float32),
            pltpu.SemaphoreType.DMA,
        ],
    )
    return kfn(dst)


NBANK = 2
ESPLIT = 2
JSTEPS = NCHUNKS // ESPLIT


OSTEPS = N // ROWB


def _agg_body(src_ref, dst_ref, p_ref, o_ref, *banks):
    j = pl.program_id(1)

    @pl.when(j == 0)
    def _():
        for b in banks:
            b[...] = jnp.zeros_like(b)

    @pl.when(j < JSTEPS)
    def _():
        def group(g, carry):
            i = g * NBANK
            for k in range(NBANK):
                sv = src_ref[0, 0, i + k]
                dv = dst_ref[0, 0, i + k]
                row = p_ref[pl.ds(sv, 1), :]
                banks[k][pl.ds(dv, 1), :] += row
            return carry

        lax.fori_loop(0, CHUNK // NBANK, group, 0, unroll=8)

    @pl.when(j >= JSTEPS)
    def _():
        i = (j - JSTEPS) * ROWB
        tot = banks[0][pl.ds(i, ROWB), :]
        for b in banks[1:]:
            tot = tot + b[pl.ds(i, ROWB), :]
        o_ref[...] = tot.reshape(1, ROWB, D)


def _agg(p, src2d, dst2d):
    return pl.pallas_call(
        _agg_body,
        grid=(ESPLIT, JSTEPS + OSTEPS),
        in_specs=[
            pl.BlockSpec(
                (1, 1, CHUNK),
                lambda t, j: (t * JSTEPS + jnp.minimum(j, JSTEPS - 1), 0, 0),
                memory_space=pltpu.SMEM),
            pl.BlockSpec(
                (1, 1, CHUNK),
                lambda t, j: (t * JSTEPS + jnp.minimum(j, JSTEPS - 1), 0, 0),
                memory_space=pltpu.SMEM),
            pl.BlockSpec((N, D), lambda t, j: (0, 0)),
        ],
        out_specs=pl.BlockSpec(
            (1, ROWB, D),
            lambda t, j: (t, jnp.maximum(j - JSTEPS, 0), 0)),
        out_shape=jax.ShapeDtypeStruct((ESPLIT, N, D), jnp.float32),
        scratch_shapes=[pltpu.VMEM((N, D), jnp.float32)
                        for _ in range(NBANK)],
        compiler_params=pltpu.CompilerParams(
            dimension_semantics=("parallel", "arbitrary")),
    )(src2d, dst2d, p)



def _dis_body(hist_ref, o_ref):
    deg = jnp.sum(hist_ref[...], axis=0, keepdims=True) + 1.0
    o_ref[...] = lax.rsqrt(deg)


def _dis(hist):
    return pl.pallas_call(
        _dis_body,
        out_shape=jax.ShapeDtypeStruct((1, PAD_N), jnp.float32),
    )(hist)


def _mm_scale_body(x_ref, w_ref, dis_ref, o_ref):
    h = jnp.dot(x_ref[...], w_ref[...], preferred_element_type=jnp.float32)
    o_ref[...] = h * dis_ref[...]


def _mm_scale(x, W, dis):
    return pl.pallas_call(
        _mm_scale_body,
        grid=(N // ROWB,),
        in_specs=[
            pl.BlockSpec((ROWB, D), lambda i: (i, 0)),
            pl.BlockSpec((D, D), lambda i: (0, 0)),
            pl.BlockSpec((ROWB, 1), lambda i: (i, 0)),
        ],
        out_specs=pl.BlockSpec((ROWB, D), lambda i: (i, 0)),
        out_shape=jax.ShapeDtypeStruct((N, D), jnp.float32),
    )(x, W, dis)


def _combine_mm_body(agg_ref, p_ref, dis_ref, b_ref, w_ref, o_ref):
    d = dis_ref[...]
    a = agg_ref[0] + agg_ref[1]
    t = jnp.maximum(d * (a + p_ref[...]) + b_ref[...], 0.0)
    h = jnp.dot(t, w_ref[...], preferred_element_type=jnp.float32)
    o_ref[...] = h * d


def _combine_mm(agg, p, dis, b, W):
    return pl.pallas_call(
        _combine_mm_body,
        grid=(N // ROWB,),
        in_specs=[
            pl.BlockSpec((ESPLIT, ROWB, D), lambda i: (0, i, 0)),
            pl.BlockSpec((ROWB, D), lambda i: (i, 0)),
            pl.BlockSpec((ROWB, 1), lambda i: (i, 0)),
            pl.BlockSpec((1, D), lambda i: (0, 0)),
            pl.BlockSpec((D, D), lambda i: (0, 0)),
        ],
        out_specs=pl.BlockSpec((ROWB, D), lambda i: (i, 0)),
        out_shape=jax.ShapeDtypeStruct((N, D), jnp.float32),
    )(agg, p, dis, b, W)


def _final_body(agg_ref, p_ref, dis_ref, b_ref, wl1_ref, bl1_ref,
                wl2_ref, bl2_ref, o_ref, acc_ref):
    i = pl.program_id(0)

    @pl.when(i == 0)
    def _():
        acc_ref[...] = jnp.zeros_like(acc_ref)

    d = dis_ref[...]
    a = agg_ref[0] + agg_ref[1]
    t = jnp.maximum(d * (a + p_ref[...]) + b_ref[...], 0.0)
    acc_ref[...] += jnp.sum(t, axis=0, keepdims=True)

    @pl.when(i == pl.num_programs(0) - 1)
    def _():
        g = acc_ref[...] * (1.0 / N)
        t1 = jnp.maximum(
            jnp.dot(g, wl1_ref[...], preferred_element_type=jnp.float32)
            + bl1_ref[...], 0.0)
        o_ref[...] = jnp.maximum(
            jnp.dot(t1, wl2_ref[...], preferred_element_type=jnp.float32)
            + bl2_ref[...], 0.0)


def _final(agg, p, dis, b, Wl1, bl1, Wl2p, bl2p):
    return pl.pallas_call(
        _final_body,
        grid=(N // ROWB,),
        in_specs=[
            pl.BlockSpec((ESPLIT, ROWB, D), lambda i: (0, i, 0)),
            pl.BlockSpec((ROWB, D), lambda i: (i, 0)),
            pl.BlockSpec((ROWB, 1), lambda i: (i, 0)),
            pl.BlockSpec((1, D), lambda i: (0, 0)),
            pl.BlockSpec((D, D), lambda i: (0, 0)),
            pl.BlockSpec((1, D), lambda i: (0, 0)),
            pl.BlockSpec((D, 128), lambda i: (0, 0)),
            pl.BlockSpec((1, 128), lambda i: (0, 0)),
        ],
        out_specs=pl.BlockSpec((1, 128), lambda i: (0, 0)),
        out_shape=jax.ShapeDtypeStruct((1, 128), jnp.float32),
        scratch_shapes=[pltpu.VMEM((1, D), jnp.float32)],
    )(agg, p, dis, b, Wl1, bl1, Wl2p, bl2p)



def kernel(x, edge_index, W1, b1, W2, b2, Wl1, bl1, Wl2, bl2):
    src = edge_index[0]
    dst = edge_index[1]
    src2d = src.reshape(NCHUNKS, 1, CHUNK)
    dst2d = dst.reshape(NCHUNKS, 1, CHUNK)

    hist = _deg(dst)
    dis = _dis(hist).reshape(PAD_N, 1)

    p1 = _mm_scale(x, W1, dis)
    a1 = _agg(p1, src2d, dst2d)

    p2 = _combine_mm(a1, p1, dis, b1.reshape(1, D), W2)
    a2 = _agg(p2, src2d, dst2d)

    Wl2p = jnp.pad(Wl2, ((0, 0), (0, 127)))
    bl2p = jnp.pad(bl2.reshape(1, 1), ((0, 0), (0, 127)))
    out = _final(a2, p2, dis, b2.reshape(1, D), Wl1, bl1.reshape(1, D),
                 Wl2p, bl2p)
    return out[:, 0:1]

# --- scband reference (transcript-rebuilt; emitter-appended) ---
"""Pipeline reference for scband-gcn-17970143166728 (READ-ONLY COPY).

The authoritative reference and input builder live on the scoring server;
editing this copy changes nothing except your own understanding.
"""

import jax, jax.numpy as jnp
import numpy as np

N_NODES = 10000
N_EDGES = 160000
D_IN = 256
D_HID = 256


def gcn_conv(x, edge_index, W, b):
    # GCNConv: out = D^{-1/2} (A + I) D^{-1/2} X W + b (self-loops added)
    n = x.shape[0]
    loop = jnp.arange(n, dtype=edge_index.dtype)
    src = jnp.concatenate([edge_index[0], loop])
    dst = jnp.concatenate([edge_index[1], loop])
    deg = jnp.zeros((n,), dtype=x.dtype).at[dst].add(1.0)
    deg_inv_sqrt = jnp.where(deg > 0, jax.lax.rsqrt(jnp.maximum(deg, 1e-12)), 0.0)
    norm = deg_inv_sqrt[src] * deg_inv_sqrt[dst]
    h = x @ W
    msg = h[src] * norm[:, None]
    out = jnp.zeros((n, W.shape[1]), dtype=x.dtype).at[dst].add(msg)
    return out + b


def setup_inputs(seed: int = 0) -> dict:
    key = jax.random.key(seed)
    ks = jax.random.split(key, 12)
    x = jax.random.normal(ks[0], (N_NODES, D_IN), dtype=jnp.float32)
    edge_index = jax.random.randint(ks[1], (2, N_EDGES), 0, N_NODES, dtype=jnp.int32)
    W1 = jax.random.normal(ks[2], (D_IN, D_HID), dtype=jnp.float32) * (1.0 / np.sqrt(D_IN))
    b1 = jnp.zeros((D_HID,), dtype=jnp.float32)
    W2 = jax.random.normal(ks[3], (D_HID, D_HID), dtype=jnp.float32) * (1.0 / np.sqrt(D_HID))
    b2 = jnp.zeros((D_HID,), dtype=jnp.float32)
    Wl1 = jax.random.normal(ks[4], (D_HID, D_HID), dtype=jnp.float32) * (1.0 / np.sqrt(D_HID))
    bl1 = jnp.zeros((D_HID,), dtype=jnp.float32)
    Wl2 = jax.random.normal(ks[5], (D_HID, 1), dtype=jnp.float32) * (1.0 / np.sqrt(D_HID))
    bl2 = jnp.zeros((1,), dtype=jnp.float32)
    return {"x": x, "edge_index": edge_index, "W1": W1, "b1": b1, "W2": W2, "b2": b2,
            "Wl1": Wl1, "bl1": bl1, "Wl2": Wl2, "bl2": bl2}


def reference(x, edge_index, W1, b1, W2, b2, Wl1, bl1, Wl2, bl2):
    # conv1 + relu (dropout = identity in eval mode)
    h = gcn_conv(x, edge_index, W1, b1)
    h = jax.nn.relu(h)
    # conv2 + relu
    h = gcn_conv(h, edge_index, W2, b2)
    h = jax.nn.relu(h)
    # global_mean_pool with batch = zeros -> single graph mean
    g = jnp.mean(h, axis=0, keepdims=True)
    # lin1 + relu
    g = jax.nn.relu(g @ Wl1 + bl1)
    # lin2 + relu
    g = jax.nn.relu(g @ Wl2 + bl2)
    return g

if __name__ == "__main__":
    import jax
    _d = setup_inputs()
    print(jax.jit(kernel)(*tuple(_d.values())))

</pallas_src>

<mosaic_0001>
#map = affine_map<(d0, d1) -> (0)>
#map1 = affine_map<(d0, d1) -> (0, 0)>
module attributes {stable_mosaic.version = 14 : i64} {
  func.func @_deg_body(%arg0: i32, %arg1: i32, %arg2: memref<160000xi32, #tpu.memory_space<hbm>>, %arg3: memref<32x10240xf32, #tpu.memory_space<hbm>>, %arg4: memref<128xi32, #tpu.memory_space<vmem>>, %arg5: memref<10240xf32, #tpu.memory_space<vmem>>, %arg6: memref<!tpu.dma_semaphore, #tpu.memory_space<semaphore_mem>>) attributes {dimension_semantics = [#tpu.dimension_semantics<core_parallel>, #tpu.dimension_semantics<subcore_parallel>], iteration_bounds = array<i64: 2, 16>, scalar_prefetch = 0 : i64, scratch_operands = 3 : i64, tpu.core_type = #tpu.core_type<sc_vector_subcore>, window_params = [{transform_indices = #map}, {transform_indices = #map1}]} {
    %mul3A = arith.constant 16 : i32
    %mul3A_0 = arith.muli %arg0, %mul3A : i32
    %add3A = arith.addi %mul3A_0, %arg1 : i32
    %scan3A = arith.constant 0 : i32
    %scan3A_1 = arith.constant 640 : i32
    %scan3A_2 = arith.addi %scan3A, %scan3A_1 : i32
    %scan3A_3 = arith.constant 1 : i32
    scf.for %scan3A_11 = %scan3A to %scan3A_2 step %scan3A_3  : i32 {
      %mul3A_12 = arith.constant 1 : i32
      %mul3A_13 = arith.muli %scan3A_11, %mul3A_12 : i32
      %add3A_14 = arith.constant 0 : i32
      %add3A_15 = arith.addi %add3A_14, %mul3A_13 : i32
      %broadcast_in_dim3A_16 = arith.constant 0.000000e+00 : f32
      %broadcast_in_dim3A_17 = vector.broadcast %broadcast_in_dim3A_16 : f32 to vector<16xf32>
      %mul3A_18 = arith.constant 16 : i32
      %mul3A_19 = arith.muli %add3A_15, %mul3A_18 : i32
      %swap3A = arith.index_cast %mul3A_19 : i32 to index
      %swap3A_20 = tpu.vector_load %arg5[%swap3A] {strides = array<i32>} : memref<10240xf32, #tpu.memory_space<vmem>>, vector<16xf32>,
      tpu.vector_store %arg5[%swap3A], %broadcast_in_dim3A_17 {strides = array<i32>} : memref<10240xf32, #tpu.memory_space<vmem>>, vector<16xf32>,
    }
    %scan3A_4 = arith.constant 640 : i32
    %broadcast_in_dim3A = arith.constant 1.000000e+00 : f32
    %broadcast_in_dim3A_5 = vector.broadcast %broadcast_in_dim3A : f32 to vector<16xf32>
    %scan3A_6 = arith.constant 0 : i32
    %scan3A_7 = arith.constant 40 : i32
    %scan3A_8 = arith.addi %scan3A_6, %scan3A_7 : i32
    %scan3A_9 = arith.constant 1 : i32
    scf.for %scan3A_11 = %scan3A_6 to %scan3A_8 step %scan3A_9  : i32 {
      %mul3A_12 = arith.constant 1 : i32
      %mul3A_13 = arith.muli %scan3A_11, %mul3A_12 : i32
      %add3A_14 = arith.constant 0 : i32
      %add3A_15 = arith.addi %add3A_14, %mul3A_13 : i32
      %mul3A_16 = arith.constant 2 : i32
      %mul3A_17 = arith.muli %add3A_15, %mul3A_16 : i32
      %mul3A_18 = arith.constant 16 : i32
      %mul3A_19 = arith.muli %mul3A_17, %mul3A_18 : i32
      %add3A_20 = arith.addi %add3A, %mul3A_19 : i32
      %lt3A = arith.constant 1250 : i32
      %lt3A_21 = arith.cmpi slt, %add3A_20, %lt3A : i32
      %convert_element_type3A = arith.extui %lt3A_21 : i1 to i32
      %cond3A = arith.constant 0 : i32
      %cond3A_22 = arith.cmpi ne, %convert_element_type3A, %cond3A : i32
      scf.if %cond3A_22 {
        %mul3A_23 = arith.constant 128 : i32
        %mul3A_24 = arith.muli %add3A_20, %mul3A_23 : i32
        "tpu.region"() ({
          %run_scoped3A = tpu.sem_alloc : memref<!tpu.dma_semaphore, #tpu.memory_space<semaphore_mem>>
          %dma_start3A = tpu.memref_slice %arg2[%mul3A_24] : memref<160000xi32, #tpu.memory_space<hbm>> -> memref<128xi32, #tpu.memory_space<hbm>>
          %dma_start3A_40 = tpu.memref_slice %arg2[%mul3A_24] : memref<160000xi32, #tpu.memory_space<hbm>> -> memref<128xi32, #tpu.memory_space<hbm>>
          tpu.enqueue_dma source(%dma_start3A_40 : memref<128xi32, #tpu.memory_space<hbm>>) target(%arg4 : memref<128xi32, #tpu.memory_space<vmem>>) target_semaphore(%run_scoped3A : memref<!tpu.dma_semaphore, #tpu.memory_space<semaphore_mem>>)
          %dma_wait3A = tpu.memref_slice %arg2[%mul3A_24] : memref<160000xi32, #tpu.memory_space<hbm>> -> memref<128xi32, #tpu.memory_space<hbm>>
          %dma_wait3A_41 = tpu.memref_slice %arg2[%mul3A_24] : memref<160000xi32, #tpu.memory_space<hbm>> -> memref<128xi32, #tpu.memory_space<hbm>>
          tpu.wait_dma2 semaphore(%run_scoped3A : memref<!tpu.dma_semaphore, #tpu.memory_space<semaphore_mem>>) src(%dma_wait3A_41 : memref<128xi32, #tpu.memory_space<hbm>>) dst(%arg4 : memref<128xi32, #tpu.memory_space<vmem>>)
          tpu.yield
        }) : () -> ()
        %get3A = arith.constant 0 : index
        %get3A_25 = tpu.vector_load %arg4[%get3A] {strides = array<i32>} : memref<128xi32, #tpu.memory_space<vmem>>, vector<16xi32>,
        tpu.vector_store_idx %arg5[%get3A_25], %broadcast_in_dim3A_5 {add = true} : memref<10240xf32, #tpu.memory_space<vmem>>[vector<16xi32>], vector<16xf32>,
        %get3A_26 = arith.constant 16 : index
        %get3A_27 = tpu.vector_load %arg4[%get3A_26] {strides = array<i32>} : memref<128xi32, #tpu.memory_space<vmem>>, vector<16xi32>,
        tpu.vector_store_idx %arg5[%get3A_27], %broadcast_in_dim3A_5 {add = true} : memref<10240xf32, #tpu.memory_space<vmem>>[vector<16xi32>], vector<16xf32>,
        %get3A_28 = arith.constant 32 : index
        %get3A_29 = tpu.vector_load %arg4[%get3A_28] {strides = array<i32>} : memref<128xi32, #tpu.memory_space<vmem>>, vector<16xi32>,
        tpu.vector_store_idx %arg5[%get3A_29], %broadcast_in_dim3A_5 {add = true} : memref<10240xf32, #tpu.memory_space<vmem>>[vector<16xi32>], vector<16xf32>,
        %get3A_30 = arith.constant 48 : index
        %get3A_31 = tpu.vector_load %arg4[%get3A_30] {strides = array<i32>} : memref<128xi32, #tpu.memory_space<vmem>>, vector<16xi32>,
        tpu.vector_store_idx %arg5[%get3A_31], %broadcast_in_dim3A_5 {add = true} : memref<10240xf32, #tpu.memory_space<vmem>>[vector<16xi32>], vector<16xf32>,
        %get3A_32 = arith.constant 64 : index
        %get3A_33 = tpu.vector_load %arg4[%get3A_32] {strides = array<i32>} : memref<128xi32, #tpu.memory_space<vmem>>, vector<16xi32>,
        tpu.vector_store_idx %arg5[%get3A_33], %broadcast_in_dim3A_5 {add = true} : memref<10240xf32, #tpu.memory_space<vmem>>[vector<16xi32>], vector<16xf32>,
        %get3A_34 = arith.constant 80 : index
        %get3A_35 = tpu.vector_load %arg4[%get3A_34] {strides = array<i32>} : memref<128xi32, #tpu.memory_space<vmem>>, vector<16xi32>,
        tpu.vector_store_idx %arg5[%get3A_35], %broadcast_in_dim3A_5 {add = true} : memref<10240xf32, #tpu.memory_space<vmem>>[vector<16xi32>], vector<16xf32>,
        %get3A_36 = arith.constant 96 : index
        %get3A_37 = tpu.vector_load %arg4[%get3A_36] {strides = array<i32>} : memref<128xi32, #tpu.memory_space<vmem>>, vector<16xi32>,
        tpu.vector_store_idx %arg5[%get3A_37], %broadcast_in_dim3A_5 {add = true} : memref<10240xf32, #tpu.memory_space<vmem>>[vector<16xi32>], vector<16xf32>,
        %get3A_38 = arith.constant 112 : index
        %get3A_39 = tpu.vector_load %arg4[%get3A_38] {strides = array<i32>} : memref<128xi32, #tpu.memory_space<vmem>>, vector<16xi32>,
        tpu.vector_store_idx %arg5[%get3A_39], %broadcast_in_dim3A_5 {add = true} : memref<10240xf32, #tpu.memory_space<vmem>>[vector<16xi32>], vector<16xf32>,
      } else {
      }
    }
    %scan3A_10 = arith.constant 40 : i32
    "tpu.region"() ({
      %run_scoped3A = tpu.sem_alloc : memref<!tpu.dma_semaphore, #tpu.memory_space<semaphore_mem>>
      %dma_start3A = arith.constant 0 : i32
      %dma_start3A_11 = tpu.memref_slice %arg3[%add3A, %dma_start3A] : memref<32x10240xf32, #tpu.memory_space<hbm>> -> memref<1x10240xf32, #tpu.memory_space<hbm>>
      %dma_start3A_12 = tpu.memref_squeeze %dma_start3A_11 : memref<1x10240xf32, #tpu.memory_space<hbm>> -> memref<10240xf32, #tpu.memory_space<hbm>>
      %dma_start3A_13 = arith.constant 0 : i32
      %dma_start3A_14 = tpu.memref_slice %arg3[%add3A, %dma_start3A_13] : memref<32x10240xf32, #tpu.memory_space<hbm>> -> memref<1x10240xf32, #tpu.memory_space<hbm>>
      %dma_start3A_15 = tpu.memref_squeeze %dma_start3A_14 : memref<1x10240xf32, #tpu.memory_space<hbm>> -> memref<10240xf32, #tpu.memory_space<hbm>>
      tpu.enqueue_dma source(%arg5 : memref<10240xf32, #tpu.memory_space<vmem>>) target(%dma_start3A_15 : memref<10240xf32, #tpu.memory_space<hbm>>) target_semaphore(%run_scoped3A : memref<!tpu.dma_semaphore, #tpu.memory_space<semaphore_mem>>)
      %dma_wait3A = arith.constant 0 : i32
      %dma_wait3A_16 = tpu.memref_slice %arg3[%add3A, %dma_wait3A] : memref<32x10240xf32, #tpu.memory_space<hbm>> -> memref<1x10240xf32, #tpu.memory_space<hbm>>
      %dma_wait3A_17 = tpu.memref_squeeze %dma_wait3A_16 : memref<1x10240xf32, #tpu.memory_space<hbm>> -> memref<10240xf32, #tpu.memory_space<hbm>>
      %dma_wait3A_18 = arith.constant 0 : i32
      %dma_wait3A_19 = tpu.memref_slice %arg3[%add3A, %dma_wait3A_18] : memref<32x10240xf32, #tpu.memory_space<hbm>> -> memref<1x10240xf32, #tpu.memory_space<hbm>>
      %dma_wait3A_20 = tpu.memref_squeeze %dma_wait3A_19 : memref<1x10240xf32, #tpu.memory_space<hbm>> -> memref<10240xf32, #tpu.memory_space<hbm>>
      tpu.wait_dma2 semaphore(%run_scoped3A : memref<!tpu.dma_semaphore, #tpu.memory_space<semaphore_mem>>) src(%arg5 : memref<10240xf32, #tpu.memory_space<vmem>>) dst(%dma_wait3A_20 : memref<10240xf32, #tpu.memory_space<hbm>>)
      tpu.yield
    }) : () -> ()
    return
  }
}

module attributes {stable_mosaic.version = 14 : i64} {
  func.func @_dis_body(%arg0: memref<32x10240xf32, #tpu.memory_space<vmem>>, %arg1: memref<1x10240xf32, #tpu.memory_space<vmem>>) attributes {dimension_semantics = [], scalar_prefetch = 0 : i64, scratch_operands = 0 : i64, tpu.core_type = #tpu.core_type<tc>} {
    %get3A = arith.constant 0 : index
    %get3A_0 = arith.constant 0 : index
    %get3A_1 = vector.load %arg0[%get3A, %get3A_0] : memref<32x10240xf32, #tpu.memory_space<vmem>>, vector<32x10240xf32>
    %reduce_sum3A = arith.constant dense<0.000000e+00> : vector<10240xf32>
    %reduce_sum3A_2 = vector.multi_reduction <add>, %get3A_1, %reduce_sum3A [0] : vector<32x10240xf32> to vector<10240xf32>
    %broadcast_in_dim3A = vector.shape_cast %reduce_sum3A_2 : vector<10240xf32> to vector<1x10240xf32>
    %add3A = arith.constant 1.000000e+00 : f32
    %add3A_3 = vector.broadcast %add3A : f32 to vector<1x10240xf32>
    %add3A_4 = arith.addf %broadcast_in_dim3A, %add3A_3 : vector<1x10240xf32>
    %rsqrt3A = math.rsqrt %add3A_4 : vector<1x10240xf32>
    %swap3A = arith.constant 0 : index
    %swap3A_5 = arith.constant 0 : index
    %swap3A_6 = vector.load %arg1[%swap3A, %swap3A_5] : memref<1x10240xf32, #tpu.memory_space<vmem>>, vector<1x10240xf32>
    tpu.vector_store %arg1[%swap3A, %swap3A_5], %rsqrt3A {strides = array<i32>} : memref<1x10240xf32, #tpu.memory_space<vmem>>, vector<1x10240xf32>,
    return
  }
}

module attributes {stable_mosaic.version = 14 : i64} {
  func.func @_mm_scale_body(%arg0: i32, %arg1: memref<400x256xf32, #tpu.memory_space<vmem>>, %arg2: memref<256x256xf32, #tpu.memory_space<vmem>>, %arg3: memref<400x1xf32, #tpu.memory_space<vmem>>, %arg4: memref<400x256xf32, #tpu.memory_space<vmem>>) attributes {dimension_semantics = [#tpu.dimension_semantics<arbitrary>], iteration_bounds = array<i64: 25>, scalar_prefetch = 0 : i64, scratch_operands = 0 : i64, tpu.core_type = #tpu.core_type<tc>, window_params = [{transform_indices = @transform_0, window_bounds = array<i64: 400, 256>}, {pipeline_mode = #tpu.pipeline_mode<synchronous>, transform_indices = @transform_1, window_bounds = array<i64: 256, 256>}, {transform_indices = @transform_2, window_bounds = array<i64: 400, 1>}, {transform_indices = @transform_3, window_bounds = array<i64: 400, 256>}]} {
    %get3A = arith.constant 0 : index
    %get3A_0 = arith.constant 0 : index
    %get3A_1 = vector.load %arg1[%get3A, %get3A_0] : memref<400x256xf32, #tpu.memory_space<vmem>>, vector<400x256xf32>
    %get3A_2 = arith.constant 0 : index
    %get3A_3 = arith.constant 0 : index
    %get3A_4 = vector.load %arg2[%get3A_2, %get3A_3] : memref<256x256xf32, #tpu.memory_space<vmem>>, vector<256x256xf32>
    %dot_general3A = arith.constant dense<0.000000e+00> : vector<400x256xf32>
    %dot_general3A_5 = tpu.matmul %get3A_1, %get3A_4, %dot_general3A {dimension_numbers = #tpu.dot_dimension_numbers<[1], [0], [0], [1], [0, 0, 1, 1], [], []>, transpose_lhs_hint = false} : vector<400x256xf32>, vector<256x256xf32>, vector<400x256xf32> -> vector<400x256xf32>
    %get3A_6 = arith.constant 0 : index
    %get3A_7 = arith.constant 0 : index
    %get3A_8 = vector.load %arg3[%get3A_6, %get3A_7] : memref<400x1xf32, #tpu.memory_space<vmem>>, vector<400x1xf32>
    %mul3A = vector.broadcast %get3A_8 : vector<400x1xf32> to vector<400x256xf32>
    %mul3A_9 = arith.mulf %dot_general3A_5, %mul3A : vector<400x256xf32>
    %swap3A = arith.constant 0 : index
    %swap3A_10 = arith.constant 0 : index
    %swap3A_11 = vector.load %arg4[%swap3A, %swap3A_10] : memref<400x256xf32, #tpu.memory_space<vmem>>, vector<400x256xf32>
    tpu.vector_store %arg4[%swap3A, %swap3A_10], %mul3A_9 {strides = array<i32>} : memref<400x256xf32, #tpu.memory_space<vmem>>, vector<400x256xf32>,
    return
  }
  func.func @transform_0(%arg0: i32) -> (i32, i32) {
    %c0_i32 = arith.constant 0 : i32
    %c0_i32_0 = arith.constant 0 : i32
    return %arg0, %c0_i32 : i32, i32
  }
  func.func @transform_1(%arg0: i32) -> (i32, i32) {
    %c0_i32 = arith.constant 0 : i32
    %c0_i32_0 = arith.constant 0 : i32
    %c0_i32_1 = arith.constant 0 : i32
    return %c0_i32, %c0_i32_0 : i32, i32
  }
  func.func @transform_2(%arg0: i32) -> (i32, i32) {
    %c0_i32 = arith.constant 0 : i32
    %c0_i32_0 = arith.constant 0 : i32
    return %arg0, %c0_i32 : i32, i32
  }
  func.func @transform_3(%arg0: i32) -> (i32, i32) {
    %c0_i32 = arith.constant 0 : i32
    %c0_i32_0 = arith.constant 0 : i32
    return %arg0, %c0_i32 : i32, i32
  }
}

module attributes {stable_mosaic.version = 14 : i64} {
  func.func @_agg_body(%arg0: i32, %arg1: i32, %arg2: memref<1x1x500xi32, #tpu.memory_space<smem>>, %arg3: memref<1x1x500xi32, #tpu.memory_space<smem>>, %arg4: memref<10000x256xf32, #tpu.memory_space<vmem>>, %arg5: memref<1x400x256xf32, #tpu.memory_space<vmem>>, %arg6: memref<10000x256xf32, #tpu.memory_space<vmem>>, %arg7: memref<10000x256xf32, #tpu.memory_space<vmem>>) attributes {dimension_semantics = [#tpu.dimension_semantics<parallel>, #tpu.dimension_semantics<arbitrary>], iteration_bounds = array<i64: 2, 185>, scalar_prefetch = 0 : i64, scratch_operands = 2 : i64, tpu.core_type = #tpu.core_type<tc>, window_params = [{transform_indices = @transform_0, window_bounds = array<i64: 1, 1, 500>}, {transform_indices = @transform_1, window_bounds = array<i64: 1, 1, 500>}, {pipeline_mode = #tpu.pipeline_mode<synchronous>, transform_indices = @transform_2, window_bounds = array<i64: 10000, 256>}, {transform_indices = @transform_3, window_bounds = array<i64: 1, 400, 256>}]} {
    %eq3A = arith.constant 0 : i32
    %eq3A_0 = arith.cmpi eq, %arg1, %eq3A : i32
    %convert_element_type3A = arith.extui %eq3A_0 : i1 to i32
    %cond3A = arith.constant 0 : i32
    %cond3A_1 = arith.cmpi ne, %convert_element_type3A, %cond3A : i32
    scf.if %cond3A_1 {
      %broadcast_in_dim3A = arith.constant 0.000000e+00 : f32
      %broadcast_in_dim3A_10 = vector.broadcast %broadcast_in_dim3A : f32 to vector<10000x256xf32>
      %swap3A = arith.constant 0 : index
      %swap3A_11 = arith.constant 0 : index
      %swap3A_12 = vector.load %arg6[%swap3A, %swap3A_11] : memref<10000x256xf32, #tpu.memory_space<vmem>>, vector<10000x256xf32>
      tpu.vector_store %arg6[%swap3A, %swap3A_11], %broadcast_in_dim3A_10 {strides = array<i32>} : memref<10000x256xf32, #tpu.memory_space<vmem>>, vector<10000x256xf32>,
      %broadcast_in_dim3A_13 = arith.constant 0.000000e+00 : f32
      %broadcast_in_dim3A_14 = vector.broadcast %broadcast_in_dim3A_13 : f32 to vector<10000x256xf32>
      %swap3A_15 = arith.constant 0 : index
      %swap3A_16 = arith.constant 0 : index
      %swap3A_17 = vector.load %arg7[%swap3A_15, %swap3A_16] : memref<10000x256xf32, #tpu.memory_space<vmem>>, vector<10000x256xf32>
      tpu.vector_store %arg7[%swap3A_15, %swap3A_16], %broadcast_in_dim3A_14 {strides = array<i32>} : memref<10000x256xf32, #tpu.memory_space<vmem>>, vector<10000x256xf32>,
    } else {
    }
    %lt3A = arith.constant 160 : i32
    %lt3A_2 = arith.cmpi slt, %arg1, %lt3A : i32
    %convert_element_type3A_3 = arith.extui %lt3A_2 : i1 to i32
    %cond3A_4 = arith.constant 0 : i32
    %cond3A_5 = arith.cmpi ne, %convert_element_type3A_3, %cond3A_4 : i32
    scf.if %cond3A_5 {
      %scan3A = arith.constant 0 : i32
      %scan3A_10 = arith.constant 248 : i32
      %scan3A_11 = arith.addi %scan3A, %scan3A_10 : i32
      %scan3A_12 = arith.constant 8 : i32
      scf.for %scan3A_106 = %scan3A to %scan3A_11 step %scan3A_12  : i32 {
        %mul3A_107 = arith.constant 2 : i32
        %mul3A_108 = arith.muli %scan3A_106, %mul3A_107 : i32
        %add3A_109 = arith.constant 0 : i32
        %add3A_110 = arith.addi %mul3A_108, %add3A_109 : i32
        %get3A_111 = arith.constant 0 : index
        %get3A_112 = arith.constant 0 : index
        %get3A_113 = arith.index_cast %add3A_110 : i32 to index
        %get3A_114 = memref.load %arg2[%get3A_111, %get3A_112, %get3A_113] : memref<1x1x500xi32, #tpu.memory_space<smem>>
        %add3A_115 = arith.constant 0 : i32
        %add3A_116 = arith.addi %mul3A_108, %add3A_115 : i32
        %get3A_117 = arith.constant 0 : index
        %get3A_118 = arith.constant 0 : index
        %get3A_119 = arith.index_cast %add3A_116 : i32 to index
        %get3A_120 = memref.load %arg3[%get3A_117, %get3A_118, %get3A_119] : memref<1x1x500xi32, #tpu.memory_space<smem>>
        %get3A_121 = arith.index_cast %get3A_114 : i32 to index
        %get3A_122 = arith.constant 0 : index
        %get3A_123 = vector.load %arg4[%get3A_121, %get3A_122] : memref<10000x256xf32, #tpu.memory_space<vmem>>, vector<1x256xf32>
        %get3A_124 = arith.index_cast %get3A_120 : i32 to index
        %get3A_125 = arith.constant 0 : index
        %get3A_126 = vector.load %arg6[%get3A_124, %get3A_125] : memref<10000x256xf32, #tpu.memory_space<vmem>>, vector<1x256xf32>
        %add3A_127 = arith.addf %get3A_126, %get3A_123 : vector<1x256xf32>
        %swap3A_128 = arith.index_cast %get3A_120 : i32 to index
        %swap3A_129 = arith.constant 0 : index
        %swap3A_130 = vector.load %arg6[%swap3A_128, %swap3A_129] : memref<10000x256xf32, #tpu.memory_space<vmem>>, vector<1x256xf32>
        tpu.vector_store %arg6[%swap3A_128, %swap3A_129], %add3A_127 {strides = array<i32>} : memref<10000x256xf32, #tpu.memory_space<vmem>>, vector<1x256xf32>,
        %add3A_131 = arith.constant 1 : i32
        %add3A_132 = arith.addi %mul3A_108, %add3A_131 : i32
        %get3A_133 = arith.constant 0 : index
        %get3A_134 = arith.constant 0 : index
        %get3A_135 = arith.index_cast %add3A_132 : i32 to index
        %get3A_136 = memref.load %arg2[%get3A_133, %get3A_134, %get3A_135] : memref<1x1x500xi32, #tpu.memory_space<smem>>
        %add3A_137 = arith.constant 1 : i32
        %add3A_138 = arith.addi %mul3A_108, %add3A_137 : i32
        %get3A_139 = arith.constant 0 : index
        %get3A_140 = arith.constant 0 : index
        %get3A_141 = arith.index_cast %add3A_138 : i32 to index
        %get3A_142 = memref.load %arg3[%get3A_139, %get3A_140, %get3A_141] : memref<1x1x500xi32, #tpu.memory_space<smem>>
        %get3A_143 = arith.index_cast %get3A_136 : i32 to index
        %get3A_144 = arith.constant 0 : index
        %get3A_145 = vector.load %arg4[%get3A_143, %get3A_144] : memref<10000x256xf32, #tpu.memory_space<vmem>>, vector<1x256xf32>
        %get3A_146 = arith.index_cast %get3A_142 : i32 to index
        %get3A_147 = arith.constant 0 : index
        %get3A_148 = vector.load %arg7[%get3A_146, %get3A_147] : memref<10000x256xf32, #tpu.memory_space<vmem>>, vector<1x256xf32>
        %add3A_149 = arith.addf %get3A_148, %get3A_145 : vector<1x256xf32>
        %swap3A_150 = arith.index_cast %get3A_142 : i32 to index
        %swap3A_151 = arith.constant 0 : index
        %swap3A_152 = vector.load %arg7[%swap3A_150, %swap3A_151] : memref<10000x256xf32, #tpu.memory_space<vmem>>, vector<1x256xf32>
        tpu.vector_store %arg7[%swap3A_150, %swap3A_151], %add3A_149 {strides = array<i32>} : memref<10000x256xf32, #tpu.memory_space<vmem>>, vector<1x256xf32>,
        %scan3A_153 = arith.constant 1 : i32
        %scan3A_154 = arith.addi %scan3A_106, %scan3A_153 : i32
        %mul3A_155 = arith.constant 2 : i32
        %mul3A_156 = arith.muli %scan3A_154, %mul3A_155 : i32
        %add3A_157 = arith.constant 0 : i32
        %add3A_158 = arith.addi %mul3A_156, %add3A_157 : i32
        %get3A_159 = arith.constant 0 : index
        %get3A_160 = arith.constant 0 : index
        %get3A_161 = arith.index_cast %add3A_158 : i32 to index
        %get3A_162 = memref.load %arg2[%get3A_159, %get3A_160, %get3A_161] : memref<1x1x500xi32, #tpu.memory_space<smem>>
        %add3A_163 = arith.constant 0 : i32
        %add3A_164 = arith.addi %mul3A_156, %add3A_163 : i32
        %get3A_165 = arith.constant 0 : index
        %get3A_166 = arith.constant 0 : index
        %get3A_167 = arith.index_cast %add3A_164 : i32 to index
        %get3A_168 = memref.load %arg3[%get3A_165, %get3A_166, %get3A_167] : memref<1x1x500xi32, #tpu.memory_space<smem>>
        %get3A_169 = arith.index_cast %get3A_162 : i32 to index
        %get3A_170 = arith.constant 0 : index
        %get3A_171 = vector.load %arg4[%get3A_169, %get3A_170] : memref<10000x256xf32, #tpu.memory_space<vmem>>, vector<1x256xf32>
        %get3A_172 = arith.index_cast %get3A_168 : i32 to index
        %get3A_173 = arith.constant 0 : index
        %get3A_174 = vector.load %arg6[%get3A_172, %get3A_173] : memref<10000x256xf32, #tpu.memory_space<vmem>>, vector<1x256xf32>
        %add3A_175 = arith.addf %get3A_174, %get3A_171 : vector<1x256xf32>
        %swap3A_176 = arith.index_cast %get3A_168 : i32 to index
        %swap3A_177 = arith.constant 0 : index
        %swap3A_178 = vector.load %arg6[%swap3A_176, %swap3A_177] : memref<10000x256xf32, #tpu.memory_space<vmem>>, vector<1x256xf32>
        tpu.vector_store %arg6[%swap3A_176, %swap3A_177], %add3A_175 {strides = array<i32>} : memref<10000x256xf32, #tpu.memory_space<vmem>>, vector<1x256xf32>,
        %add3A_179 = arith.constant 1 : i32
        %add3A_180 = arith.addi %mul3A_156, %add3A_179 : i32
        %get3A_181 = arith.constant 0 : index
        %get3A_182 = arith.constant 0 : index
        %get3A_183 = arith.index_cast %add3A_180 : i32 to index
        %get3A_184 = memref.load %arg2[%get3A_181, %get3A_182, %get3A_183] : memref<1x1x500xi32, #tpu.memory_space<smem>>
        %add3A_185 = arith.constant 1 : i32
        %add3A_186 = arith.addi %mul3A_156, %add3A_185 : i32
        %get3A_187 = arith.constant 0 : index
        %get3A_188 = arith.constant 0 : index
        %get3A_189 = arith.index_cast %add3A_186 : i32 to index
        %get3A_190 = memref.load %arg3[%get3A_187, %get3A_188, %get3A_189] : memref<1x1x500xi32, #tpu.memory_space<smem>>
        %get3A_191 = arith.index_cast %get3A_184 : i32 to index
        %get3A_192 = arith.constant 0 : index
        %get3A_193 = vector.load %arg4[%get3A_191, %get3A_192] : memref<10000x256xf32, #tpu.memory_space<vmem>>, vector<1x256xf32>
        %get3A_194 = arith.index_cast %get3A_190 : i32 to index
        %get3A_195 = arith.constant 0 : index
        %get3A_196 = vector.load %arg7[%get3A_194, %get3A_195] : memref<10000x256xf32, #tpu.memory_space<vmem>>, vector<1x256xf32>
        %add3A_197 = arith.addf %get3A_196, %get3A_193 : vector<1x256xf32>
        %swap3A_198 = arith.index_cast %get3A_190 : i32 to index
        %swap3A_199 = arith.constant 0 : index
        %swap3A_200 = vector.load %arg7[%swap3A_198, %swap3A_199] : memref<10000x256xf32, #tpu.memory_space<vmem>>, vector<1x256xf32>
        tpu.vector_store %arg7[%swap3A_198, %swap3A_199], %add3A_197 {strides = array<i32>} : memref<10000x256xf32, #tpu.memory_space<vmem>>, vector<1x256xf32>,
        %scan3A_201 = arith.constant 2 : i32
        %scan3A_202 = arith.addi %scan3A_106, %scan3A_201 : i32
        %mul3A_203 = arith.constant 2 : i32
        %mul3A_204 = arith.muli %scan3A_202, %mul3A_203 : i32
        %add3A_205 = arith.constant 0 : i32
        %add3A_206 = arith.addi %mul3A_204, %add3A_205 : i32
        %get3A_207 = arith.constant 0 : index
        %get3A_208 = arith.constant 0 : index
        %get3A_209 = arith.index_cast %add3A_206 : i32 to index
        %get3A_210 = memref.load %arg2[%get3A_207, %get3A_208, %get3A_209] : memref<1x1x500xi32, #tpu.memory_space<smem>>
        %add3A_211 = arith.constant 0 : i32
        %add3A_212 = arith.addi %mul3A_204, %add3A_211 : i32
        %get3A_213 = arith.constant 0 : index
        %get3A_214 = arith.constant 0 : index
        %get3A_215 = arith.index_cast %add3A_212 : i32 to index
        %get3A_216 = memref.load %arg3[%get3A_213, %get3A_214, %get3A_215] : memref<1x1x500xi32, #tpu.memory_space<smem>>
        %get3A_217 = arith.index_cast %get3A_210 : i32 to index
        %get3A_218 = arith.constant 0 : index
        %get3A_219 = vector.load %arg4[%get3A_217, %get3A_218] : memref<10000x256xf32, #tpu.memory_space<vmem>>, vector<1x256xf32>
        %get3A_220 = arith.index_cast %get3A_216 : i32 to index
        %get3A_221 = arith.constant 0 : index
        %get3A_222 = vector.load %arg6[%get3A_220, %get3A_221] : memref<10000x256xf32, #tpu.memory_space<vmem>>, vector<1x256xf32>
        %add3A_223 = arith.addf %get3A_222, %get3A_219 : vector<1x256xf32>
        %swap3A_224 = arith.index_cast %get3A_216 : i32 to index
        %swap3A_225 = arith.constant 0 : index
        %swap3A_226 = vector.load %arg6[%swap3A_224, %swap3A_225] : memref<10000x256xf32, #tpu.memory_space<vmem>>, vector<1x256xf32>
        tpu.vector_store %arg6[%swap3A_224, %swap3A_225], %add3A_223 {strides = array<i32>} : memref<10000x256xf32, #tpu.memory_space<vmem>>, vector<1x256xf32>,
        %add3A_227 = arith.constant 1 : i32
        %add3A_228 = arith.addi %mul3A_204, %add3A_227 : i32
        %get3A_229 = arith.constant 0 : index
        %get3A_230 = arith.constant 0 : index
        %get3A_231 = arith.index_cast %add3A_228 : i32 to index
        %get3A_232 = memref.load %arg2[%get3A_229, %get3A_230, %get3A_231] : memref<1x1x500xi32, #tpu.memory_space<smem>>
        %add3A_233 = arith.constant 1 : i32
        %add3A_234 = arith.addi %mul3A_204, %add3A_233 : i32
        %get3A_235 = arith.constant 0 : index
        %get3A_236 = arith.constant 0 : index
        %get3A_237 = arith.index_cast %add3A_234 : i32 to index
        %get3A_238 = memref.load %arg3[%get3A_235, %get3A_236, %get3A_237] : memref<1x1x500xi32, #tpu.memory_space<smem>>
        %get3A_239 = arith.index_cast %get3A_232 : i32 to index
        %get3A_240 = arith.constant 0 : index
        %get3A_241 = vector.load %arg4[%get3A_239, %get3A_240] : memref<10000x256xf32, #tpu.memory_space<vmem>>, vector<1x256xf32>
        %get3A_242 = arith.index_cast %get3A_238 : i32 to index
        %get3A_243 = arith.constant 0 : index
        %get3A_244 = vector.load %arg7[%get3A_242, %get3A_243] : memref<10000x256xf32, #tpu.memory_space<vmem>>, vector<1x256xf32>
        %add3A_245 = arith.addf %get3A_244, %get3A_241 : vector<1x256xf32>
        %swap3A_246 = arith.index_cast %get3A_238 : i32 to index
        %swap3A_247 = arith.constant 0 : index
        %swap3A_248 = vector.load %arg7[%swap3A_246, %swap3A_247] : memref<10000x256xf32, #tpu.memory_space<vmem>>, vector<1x256xf32>
        tpu.vector_store %arg7[%swap3A_246, %swap3A_247], %add3A_245 {strides = array<i32>} : memref<10000x256xf32, #tpu.memory_space<vmem>>, vector<1x256xf32>,
        %scan3A_249 = arith.constant 3 : i32
        %scan3A_250 = arith.addi %scan3A_106, %scan3A_249 : i32
        %mul3A_251 = arith.constant 2 : i32
        %mul3A_252 = arith.muli %scan3A_250, %mul3A_251 : i32
        %add3A_253 = arith.constant 0 : i32
        %add3A_254 = arith.addi %mul3A_252, %add3A_253 : i32
        %get3A_255 = arith.constant 0 : index
        %get3A_256 = arith.constant 0 : index
        %get3A_257 = arith.index_cast %add3A_254 : i32 to index
        %get3A_258 = memref.load %arg2[%get3A_255, %get3A_256, %get3A_257] : memref<1x1x500xi32, #tpu.memory_space<smem>>
        %add3A_259 = arith.constant 0 : i32
        %add3A_260 = arith.addi %mul3A_252, %add3A_259 : i32
        %get3A_261 = arith.constant 0 : index
        %get3A_262 = arith.constant 0 : index
        %get3A_263 = arith.index_cast %add3A_260 : i32 to index
        %get3A_264 = memref.load %arg3[%get3A_261, %get3A_262, %get3A_263] : memref<1x1x500xi32, #tpu.memory_space<smem>>
        %get3A_265 = arith.index_cast %get3A_258 : i32 to index
        %get3A_266 = arith.constant 0 : index
        %get3A_267 = vector.load %arg4[%get3A_265, %get3A_266] : memref<10000x256xf32, #tpu.memory_space<vmem>>, vector<1x256xf32>
        %get3A_268 = arith.index_cast %get3A_264 : i32 to index
        %get3A_269 = arith.constant 0 : index
        %get3A_270 = vector.load %arg6[%get3A_268, %get3A_269] : memref<10000x256xf32, #tpu.memory_space<vmem>>, vector<1x256xf32>
        %add3A_271 = arith.addf %get3A_270, %get3A_267 : vector<1x256xf32>
        %swap3A_272 = arith.index_cast %get3A_264 : i32 to index
        %swap3A_273 = arith.constant 0 : index
        %swap3A_274 = vector.load %arg6[%swap3A_272, %swap3A_273] : memref<10000x256xf32, #tpu.memory_space<vmem>>, vector<1x256xf32>
        tpu.vector_store %arg6[%swap3A_272, %swap3A_273], %add3A_271 {strides = array<i32>} : memref<10000x256xf32, #tpu.memory_space<vmem>>, vector<1x256xf32>,
        %add3A_275 = arith.constant 1 : i32
        %add3A_276 = arith.addi %mul3A_252, %add3A_275 : i32
        %get3A_277 = arith.constant 0 : index
        %get3A_278 = arith.constant 0 : index
        %get3A_279 = arith.index_cast %add3A_276 : i32 to index
        %get3A_280 = memref.load %arg2[%get3A_277, %get3A_278, %get3A_279] : memref<1x1x500xi32, #tpu.memory_space<smem>>
        %add3A_281 = arith.constant 1 : i32
        %add3A_282 = arith.addi %mul3A_252, %add3A_281 : i32
        %get3A_283 = arith.constant 0 : index
        %get3A_284 = arith.constant 0 : index
        %get3A_285 = arith.index_cast %add3A_282 : i32 to index
        %get3A_286 = memref.load %arg3[%get3A_283, %get3A_284, %get3A_285] : memref<1x1x500xi32, #tpu.memory_space<smem>>
        %get3A_287 = arith.index_cast %get3A_280 : i32 to index
        %get3A_288 = arith.constant 0 : index
        %get3A_289 = vector.load %arg4[%get3A_287, %get3A_288] : memref<10000x256xf32, #tpu.memory_space<vmem>>, vector<1x256xf32>
        %get3A_290 = arith.index_cast %get3A_286 : i32 to index
        %get3A_291 = arith.constant 0 : index
        %get3A_292 = vector.load %arg7[%get3A_290, %get3A_291] : memref<10000x256xf32, #tpu.memory_space<vmem>>, vector<1x256xf32>
        %add3A_293 = arith.addf %get3A_292, %get3A_289 : vector<1x256xf32>
        %swap3A_294 = arith.index_cast %get3A_286 : i32 to index
        %swap3A_295 = arith.constant 0 : index
        %swap3A_296 = vector.load %arg7[%swap3A_294, %swap3A_295] : memref<10000x256xf32, #tpu.memory_space<vmem>>, vector<1x256xf32>
        tpu.vector_store %arg7[%swap3A_294, %swap3A_295], %add3A_293 {strides = array<i32>} : memref<10000x256xf32, #tpu.memory_space<vmem>>, vector<1x256xf32>,
        %scan3A_297 = arith.constant 4 : i32
        %scan3A_298 = arith.addi %scan3A_106, %scan3A_297 : i32
        %mul3A_299 = arith.constant 2 : i32
        %mul3A_300 = arith.muli %scan3A_298, %mul3A_299 : i32
        %add3A_301 = arith.constant 0 : i32
        %add3A_302 = arith.addi %mul3A_300, %add3A_301 : i32
        %get3A_303 = arith.constant 0 : index
        %get3A_304 = arith.constant 0 : index
        %get3A_305 = arith.index_cast %add3A_302 : i32 to index
        %get3A_306 = memref.load %arg2[%get3A_303, %get3A_304, %get3A_305] : memref<1x1x500xi32, #tpu.memory_space<smem>>
        %add3A_307 = arith.constant 0 : i32
        %add3A_308 = arith.addi %mul3A_300, %add3A_307 : i32
        %get3A_309 = arith.constant 0 : index
        %get3A_310 = arith.constant 0 : index
        %get3A_311 = arith.index_cast %add3A_308 : i32 to index
        %get3A_312 = memref.load %arg3[%get3A_309, %get3A_310, %get3A_311] : memref<1x1x500xi32, #tpu.memory_space<smem>>
        %get3A_313 = arith.index_cast %get3A_306 : i32 to index
        %get3A_314 = arith.constant 0 : index
        %get3A_315 = vector.load %arg4[%get3A_313, %get3A_314] : memref<10000x256xf32, #tpu.memory_space<vmem>>, vector<1x256xf32>
        %get3A_316 = arith.index_cast %get3A_312 : i32 to index
        %get3A_317 = arith.constant 0 : index
        %get3A_318 = vector.load %arg6[%get3A_316, %get3A_317] : memref<10000x256xf32, #tpu.memory_space<vmem>>, vector<1x256xf32>
        %add3A_319 = arith.addf %get3A_318, %get3A_315 : vector<1x256xf32>
        %swap3A_320 = arith.index_cast %get3A_312 : i32 to index
        %swap3A_321 = arith.constant 0 : index
        %swap3A_322 = vector.load %arg6[%swap3A_320, %swap3A_321] : memref<10000x256xf32, #tpu.memory_space<vmem>>, vector<1x256xf32>
        tpu.vector_store %arg6[%swap3A_320, %swap3A_321], %add3A_319 {strides = array<i32>} : memref<10000x256xf32, #tpu.memory_space<vmem>>, vector<1x256xf32>,
        %add3A_323 = arith.constant 1 : i32
        %add3A_324 = arith.addi %mul3A_300, %add3A_323 : i32
        %get3A_325 = arith.constant 0 : index
        %get3A_326 = arith.constant 0 : index
        %get3A_327 = arith.index_cast %add3A_324 : i32 to index
        %get3A_328 = memref.load %arg2[%get3A_325, %get3A_326, %get3A_327] : memref<1x1x500xi32, #tpu.memory_space<smem>>
        %add3A_329 = arith.constant 1 : i32
        %add3A_330 = arith.addi %mul3A_300, %add3A_329 : i32
        %get3A_331 = arith.constant 0 : index
        %get3A_332 = arith.constant 0 : index
        %get3A_333 = arith.index_cast %add3A_330 : i32 to index
        %get3A_334 = memref.load %arg3[%get3A_331, %get3A_332, %get3A_333] : memref<1x1x500xi32, #tpu.memory_space<smem>>
        %get3A_335 = arith.index_cast %get3A_328 : i32 to index
        %get3A_336 = arith.constant 0 : index
        %get3A_337 = vector.load %arg4[%get3A_335, %get3A_336] : memref<10000x256xf32, #tpu.memory_space<vmem>>, vector<1x256xf32>
        %get3A_338 = arith.index_cast %get3A_334 : i32 to index
        %get3A_339 = arith.constant 0 : index
        %get3A_340 = vector.load %arg7[%get3A_338, %get3A_339] : memref<10000x256xf32, #tpu.memory_space<vmem>>, vector<1x256xf32>
        %add3A_341 = arith.addf %get3A_340, %get3A_337 : vector<1x256xf32>
        %swap3A_342 = arith.index_cast %get3A_334 : i32 to index
        %swap3A_343 = arith.constant 0 : index
        %swap3A_344 = vector.load %arg7[%swap3A_342, %swap3A_343] : memref<10000x256xf32, #tpu.memory_space<vmem>>, vector<1x256xf32>
        tpu.vector_store %arg7[%swap3A_342, %swap3A_343], %add3A_341 {strides = array<i32>} : memref<10000x256xf32, #tpu.memory_space<vmem>>, vector<1x256xf32>,
        %scan3A_345 = arith.constant 5 : i32
        %scan3A_346 = arith.addi %scan3A_106, %scan3A_345 : i32
        %mul3A_347 = arith.constant 2 : i32
        %mul3A_348 = arith.muli %scan3A_346, %mul3A_347 : i32
        %add3A_349 = arith.constant 0 : i32
        %add3A_350 = arith.addi %mul3A_348, %add3A_349 : i32
        %get3A_351 = arith.constant 0 : index
        %get3A_352 = arith.constant 0 : index
        %get3A_353 = arith.index_cast %add3A_350 : i32 to index
        %get3A_354 = memref.load %arg2[%get3A_351, %get3A_352, %get3A_353] : memref<1x1x500xi32, #tpu.memory_space<smem>>
        %add3A_355 = arith.constant 0 : i32
        %add3A_356 = arith.addi %mul3A_348, %add3A_355 : i32
        %get3A_357 = arith.constant 0 : index
        %get3A_358 = arith.constant 0 : index
        %get3A_359 = arith.index_cast %add3A_356 : i32 to index
        %get3A_360 = memref.load %arg3[%get3A_357, %get3A_358, %get3A_359] : memref<1x1x500xi32, #tpu.memory_space<smem>>
        %get3A_361 = arith.index_cast %get3A_354 : i32 to index
        %get3A_362 = arith.constant 0 : index
        %get3A_363 = vector.load %arg4[%get3A_361, %get3A_362] : memref<10000x256xf32, #tpu.memory_space<vmem>>, vector<1x256xf32>
        %get3A_364 = arith.index_cast %get3A_360 : i32 to index
        %get3A_365 = arith.constant 0 : index
        %get3A_366 = vector.load %arg6[%get3A_364, %get3A_365] : memref<10000x256xf32, #tpu.memory_space<vmem>>, vector<1x256xf32>
        %add3A_367 = arith.addf %get3A_366, %get3A_363 : vector<1x256xf32>
        %swap3A_368 = arith.index_cast %get3A_360 : i32 to index
        %swap3A_369 = arith.constant 0 : index
        %swap3A_370 = vector.load %arg6[%swap3A_368, %swap3A_369] : memref<10000x256xf32, #tpu.memory_space<vmem>>, vector<1x256xf32>
        tpu.vector_store %arg6[%swap3A_368, %swap3A_369], %add3A_367 {strides = array<i32>} : memref<10000x256xf32, #tpu.memory_space<vmem>>, vector<1x256xf32>,
        %add3A_371 = arith.constant 1 : i32
        %add3A_372 = arith.addi %mul3A_348, %add3A_371 : i32
        %get3A_373 = arith.constant 0 : index
        %get3A_374 = arith.constant 0 : index
        %get3A_375 = arith.index_cast %add3A_372 : i32 to index
        %get3A_376 = memref.load %arg2[%get3A_373, %get3A_374, %get3A_375] : memref<1x1x500xi32, #tpu.memory_space<smem>>
        %add3A_377 = arith.constant 1 : i32
        %add3A_378 = arith.addi %mul3A_348, %add3A_377 : i32
        %get3A_379 = arith.constant 0 : index
        %get3A_380 = arith.constant 0 : index
        %get3A_381 = arith.index_cast %add3A_378 : i32 to index
        %get3A_382 = memref.load %arg3[%get3A_379, %get3A_380, %get3A_381] : memref<1x1x500xi32, #tpu.memory_space<smem>>
        %get3A_383 = arith.index_cast %get3A_376 : i32 to index
        %get3A_384 = arith.constant 0 : index
        %get3A_385 = vector.load %arg4[%get3A_383, %get3A_384] : memref<10000x256xf32, #tpu.memory_space<vmem>>, vector<1x256xf32>
        %get3A_386 = arith.index_cast %get3A_382 : i32 to index
        %get3A_387 = arith.constant 0 : index
        %get3A_388 = vector.load %arg7[%get3A_386, %get3A_387] : memref<10000x256xf32, #tpu.memory_space<vmem>>, vector<1x256xf32>
        %add3A_389 = arith.addf %get3A_388, %get3A_385 : vector<1x256xf32>
        %swap3A_390 = arith.index_cast %get3A_382 : i32 to index
        %swap3A_391 = arith.constant 0 : index
        %swap3A_392 = vector.load %arg7[%swap3A_390, %swap3A_391] : memref<10000x256xf32, #tpu.memory_space<vmem>>, vector<1x256xf32>
        tpu.vector_store %arg7[%swap3A_390, %swap3A_391], %add3A_389 {strides = array<i32>} : memref<10000x256xf32, #tpu.memory_space<vmem>>, vector<1x256xf32>,
        %scan3A_393 = arith.constant 6 : i32
        %scan3A_394 = arith.addi %scan3A_106, %scan3A_393 : i32
        %mul3A_395 = arith.constant 2 : i32
        %mul3A_396 = arith.muli %scan3A_394, %mul3A_395 : i32
        %add3A_397 = arith.constant 0 : i32
        %add3A_398 = arith.addi %mul3A_396, %add3A_397 : i32
        %get3A_399 = arith.constant 0 : index
        %get3A_400 = arith.constant 0 : index
        %get3A_401 = arith.index_cast %add3A_398 : i32 to index
        %get3A_402 = memref.load %arg2[%get3A_399, %get3A_400, %get3A_401] : memref<1x1x500xi32, #tpu.memory_space<smem>>
        %add3A_403 = arith.constant 0 : i32
        %add3A_404 = arith.addi %mul3A_396, %add3A_403 : i32
        %get3A_405 = arith.constant 0 : index
        %get3A_406 = arith.constant 0 : index
        %get3A_407 = arith.index_cast %add3A_404 : i32 to index
        %get3A_408 = memref.load %arg3[%get3A_405, %get3A_406, %get3A_407] : memref<1x1x500xi32, #tpu.memory_space<smem>>
        %get3A_409 = arith.index_cast %get3A_402 : i32 to index
        %get3A_410 = arith.constant 0 : index
        %get3A_411 = vector.load %arg4[%get3A_409, %get3A_410] : memref<10000x256xf32, #tpu.memory_space<vmem>>, vector<1x256xf32>
        %get3A_412 = arith.index_cast %get3A_408 : i32 to index
        %get3A_413 = arith.constant 0 : index
        %get3A_414 = vector.load %arg6[%get3A_412, %get3A_413] : memref<10000x256xf32, #tpu.memory_space<vmem>>, vector<1x256xf32>
        %add3A_415 = arith.addf %get3A_414, %get3A_411 : vector<1x256xf32>
        %swap3A_416 = arith.index_cast %get3A_408 : i32 to index
        %swap3A_417 = arith.constant 0 : index
        %swap3A_418 = vector.load %arg6[%swap3A_416, %swap3A_417] : memref<10000x256xf32, #tpu.memory_space<vmem>>, vector<1x256xf32>
        tpu.vector_store %arg6[%swap3A_416, %swap3A_417], %add3A_415 {strides = array<i32>} : memref<10000x256xf32, #tpu.memory_space<vmem>>, vector<1x256xf32>,
        %add3A_419 = arith.constant 1 : i32
        %add3A_420 = arith.addi %mul3A_396, %add3A_419 : i32
        %get3A_421 = arith.constant 0 : index
        %get3A_422 = arith.constant 0 : index
        %get3A_423 = arith.index_cast %add3A_420 : i32 to index
        %get3A_424 = memref.load %arg2[%get3A_421, %get3A_422, %get3A_423] : memref<1x1x500xi32, #tpu.memory_space<smem>>
        %add3A_425 = arith.constant 1 : i32
        %add3A_426 = arith.addi %mul3A_396, %add3A_425 : i32
        %get3A_427 = arith.constant 0 : index
        %get3A_428 = arith.constant 0 : index
        %get3A_429 = arith.index_cast %add3A_426 : i32 to index
        %get3A_430 = memref.load %arg3[%get3A_427, %get3A_428, %get3A_429] : memref<1x1x500xi32, #tpu.memory_space<smem>>
        %get3A_431 = arith.index_cast %get3A_424 : i32 to index
        %get3A_432 = arith.constant 0 : index
        %get3A_433 = vector.load %arg4[%get3A_431, %get3A_432] : memref<10000x256xf32, #tpu.memory_space<vmem>>, vector<1x256xf32>
        %get3A_434 = arith.index_cast %get3A_430 : i32 to index
        %get3A_435 = arith.constant 0 : index
        %get3A_436 = vector.load %arg7[%get3A_434, %get3A_435] : memref<10000x256xf32, #tpu.memory_space<vmem>>, vector<1x256xf32>
        %add3A_437 = arith.addf %get3A_436, %get3A_433 : vector<1x256xf32>
        %swap3A_438 = arith.index_cast %get3A_430 : i32 to index
        %swap3A_439 = arith.constant 0 : index
        %swap3A_440 = vector.load %arg7[%swap3A_438, %swap3A_439] : memref<10000x256xf32, #tpu.memory_space<vmem>>, vector<1x256xf32>
        tpu.vector_store %arg7[%swap3A_438, %swap3A_439], %add3A_437 {strides = array<i32>} : memref<10000x256xf32, #tpu.memory_space<vmem>>, vector<1x256xf32>,
        %scan3A_441 = arith.constant 7 : i32
        %scan3A_442 = arith.addi %scan3A_106, %scan3A_441 : i32
        %mul3A_443 = arith.constant 2 : i32
        %mul3A_444 = arith.muli %scan3A_442, %mul3A_443 : i32
        %add3A_445 = arith.constant 0 : i32
        %add3A_446 = arith.addi %mul3A_444, %add3A_445 : i32
        %get3A_447 = arith.constant 0 : index
        %get3A_448 = arith.constant 0 : index
        %get3A_449 = arith.index_cast %add3A_446 : i32 to index
        %get3A_450 = memref.load %arg2[%get3A_447, %get3A_448, %get3A_449] : memref<1x1x500xi32, #tpu.memory_space<smem>>
        %add3A_451 = arith.constant 0 : i32
        %add3A_452 = arith.addi %mul3A_444, %add3A_451 : i32
        %get3A_453 = arith.constant 0 : index
        %get3A_454 = arith.constant 0 : index
        %get3A_455 = arith.index_cast %add3A_452 : i32 to index
        %get3A_456 = memref.load %arg3[%get3A_453, %get3A_454, %get3A_455] : memref<1x1x500xi32, #tpu.memory_space<smem>>
        %get3A_457 = arith.index_cast %get3A_450 : i32 to index
        %get3A_458 = arith.constant 0 : index
        %get3A_459 = vector.load %arg4[%get3A_457, %get3A_458] : memref<10000x256xf32, #tpu.memory_space<vmem>>, vector<1x256xf32>
        %get3A_460 = arith.index_cast %get3A_456 : i32 to index
        %get3A_461 = arith.constant 0 : index
        %get3A_462 = vector.load %arg6[%get3A_460, %get3A_461] : memref<10000x256xf32, #tpu.memory_space<vmem>>, vector<1x256xf32>
        %add3A_463 = arith.addf %get3A_462, %get3A_459 : vector<1x256xf32>
        %swap3A_464 = arith.index_cast %get3A_456 : i32 to index
        %swap3A_465 = arith.constant 0 : index
        %swap3A_466 = vector.load %arg6[%swap3A_464, %swap3A_465] : memref<10000x256xf32, #tpu.memory_space<vmem>>, vector<1x256xf32>
        tpu.vector_store %arg6[%swap3A_464, %swap3A_465], %add3A_463 {strides = array<i32>} : memref<10000x256xf32, #tpu.memory_space<vmem>>, vector<1x256xf32>,
        %add3A_467 = arith.constant 1 : i32
        %add3A_468 = arith.addi %mul3A_444, %add3A_467 : i32
        %get3A_469 = arith.constant 0 : index
        %get3A_470 = arith.constant 0 : index
        %get3A_471 = arith.index_cast %add3A_468 : i32 to index
        %get3A_472 = memref.load %arg2[%get3A_469, %get3A_470, %get3A_471] : memref<1x1x500xi32, #tpu.memory_space<smem>>
        %add3A_473 = arith.constant 1 : i32
        %add3A_474 = arith.addi %mul3A_444, %add3A_473 : i32
        %get3A_475 = arith.constant 0 : index
        %get3A_476 = arith.constant 0 : index
        %get3A_477 = arith.index_cast %add3A_474 : i32 to index
        %get3A_478 = memref.load %arg3[%get3A_475, %get3A_476, %get3A_477] : memref<1x1x500xi32, #tpu.memory_space<smem>>
        %get3A_479 = arith.index_cast %get3A_472 : i32 to index
        %get3A_480 = arith.constant 0 : index
        %get3A_481 = vector.load %arg4[%get3A_479, %get3A_480] : memref<10000x256xf32, #tpu.memory_space<vmem>>, vector<1x256xf32>
        %get3A_482 = arith.index_cast %get3A_478 : i32 to index
        %get3A_483 = arith.constant 0 : index
        %get3A_484 = vector.load %arg7[%get3A_482, %get3A_483] : memref<10000x256xf32, #tpu.memory_space<vmem>>, vector<1x256xf32>
        %add3A_485 = arith.addf %get3A_484, %get3A_481 : vector<1x256xf32>
        %swap3A_486 = arith.index_cast %get3A_478 : i32 to index
        %swap3A_487 = arith.constant 0 : index
        %swap3A_488 = vector.load %arg7[%swap3A_486, %swap3A_487] : memref<10000x256xf32, #tpu.memory_space<vmem>>, vector<1x256xf32>
        tpu.vector_store %arg7[%swap3A_486, %swap3A_487], %add3A_485 {strides = array<i32>} : memref<10000x256xf32, #tpu.memory_space<vmem>>, vector<1x256xf32>,
      }
      %scan3A_13 = arith.constant 248 : i32
      %scan3A_14 = arith.addi %scan3A, %scan3A_13 : i32
      %mul3A = arith.constant 2 : i32
      %mul3A_15 = arith.muli %scan3A_14, %mul3A : i32
      %add3A = arith.constant 0 : i32
      %add3A_16 = arith.addi %mul3A_15, %add3A : i32
      %get3A = arith.constant 0 : index
      %get3A_17 = arith.constant 0 : index
      %get3A_18 = arith.index_cast %add3A_16 : i32 to index
      %get3A_19 = memref.load %arg2[%get3A, %get3A_17, %get3A_18] : memref<1x1x500xi32, #tpu.memory_space<smem>>
      %add3A_20 = arith.constant 0 : i32
      %add3A_21 = arith.addi %mul3A_15, %add3A_20 : i32
      %get3A_22 = arith.constant 0 : index
      %get3A_23 = arith.constant 0 : index
      %get3A_24 = arith.index_cast %add3A_21 : i32 to index
      %get3A_25 = memref.load %arg3[%get3A_22, %get3A_23, %get3A_24] : memref<1x1x500xi32, #tpu.memory_space<smem>>
      %get3A_26 = arith.index_cast %get3A_19 : i32 to index
      %get3A_27 = arith.constant 0 : index
      %get3A_28 = vector.load %arg4[%get3A_26, %get3A_27] : memref<10000x256xf32, #tpu.memory_space<vmem>>, vector<1x256xf32>
      %get3A_29 = arith.index_cast %get3A_25 : i32 to index
      %get3A_30 = arith.constant 0 : index
      %get3A_31 = vector.load %arg6[%get3A_29, %get3A_30] : memref<10000x256xf32, #tpu.memory_space<vmem>>, vector<1x256xf32>
      %add3A_32 = arith.addf %get3A_31, %get3A_28 : vector<1x256xf32>
      %swap3A = arith.index_cast %get3A_25 : i32 to index
      %swap3A_33 = arith.constant 0 : index
      %swap3A_34 = vector.load %arg6[%swap3A, %swap3A_33] : memref<10000x256xf32, #tpu.memory_space<vmem>>, vector<1x256xf32>
      tpu.vector_store %arg6[%swap3A, %swap3A_33], %add3A_32 {strides = array<i32>} : memref<10000x256xf32, #tpu.memory_space<vmem>>, vector<1x256xf32>,
      %add3A_35 = arith.constant 1 : i32
      %add3A_36 = arith.addi %mul3A_15, %add3A_35 : i32
      %get3A_37 = arith.constant 0 : index
      %get3A_38 = arith.constant 0 : index
      %get3A_39 = arith.index_cast %add3A_36 : i32 to index
      %get3A_40 = memref.load %arg2[%get3A_37, %get3A_38, %get3A_39] : memref<1x1x500xi32, #tpu.memory_space<smem>>
      %add3A_41 = arith.constant 1 : i32
      %add3A_42 = arith.addi %mul3A_15, %add3A_41 : i32
      %get3A_43 = arith.constant 0 : index
      %get3A_44 = arith.constant 0 : index
      %get3A_45 = arith.index_cast %add3A_42 : i32 to index
      %get3A_46 = memref.load %arg3[%get3A_43, %get3A_44, %get3A_45] : memref<1x1x500xi32, #tpu.memory_space<smem>>
      %get3A_47 = arith.index_cast %get3A_40 : i32 to index
      %get3A_48 = arith.constant 0 : index
      %get3A_49 = vector.load %arg4[%get3A_47, %get3A_48] : memref<10000x256xf32, #tpu.memory_space<vmem>>, vector<1x256xf32>
      %get3A_50 = arith.index_cast %get3A_46 : i32 to index
      %get3A_51 = arith.constant 0 : index
      %get3A_52 = vector.load %arg7[%get3A_50, %get3A_51] : memref<10000x256xf32, #tpu.memory_space<vmem>>, vector<1x256xf32>
      %add3A_53 = arith.addf %get3A_52, %get3A_49 : vector<1x256xf32>
      %swap3A_54 = arith.index_cast %get3A_46 : i32 to index
      %swap3A_55 = arith.constant 0 : index
      %swap3A_56 = vector.load %arg7[%swap3A_54, %swap3A_55] : memref<10000x256xf32, #tpu.memory_space<vmem>>, vector<1x256xf32>
      tpu.vector_store %arg7[%swap3A_54, %swap3A_55], %add3A_53 {strides = array<i32>} : memref<10000x256xf32, #tpu.memory_space<vmem>>, vector<1x256xf32>,
      %scan3A_57 = arith.constant 249 : i32
      %scan3A_58 = arith.addi %scan3A, %scan3A_57 : i32
      %mul3A_59 = arith.constant 2 : i32
      %mul3A_60 = arith.muli %scan3A_58, %mul3A_59 : i32
      %add3A_61 = arith.constant 0 : i32
      %add3A_62 = arith.addi %mul3A_60, %add3A_61 : i32
      %get3A_63 = arith.constant 0 : index
      %get3A_64 = arith.constant 0 : index
      %get3A_65 = arith.index_cast %add3A_62 : i32 to index
      %get3A_66 = memref.load %arg2[%get3A_63, %get3A_64, %get3A_65] : memref<1x1x500xi32, #tpu.memory_space<smem>>
      %add3A_67 = arith.constant 0 : i32
      %add3A_68 = arith.addi %mul3A_60, %add3A_67 : i32
      %get3A_69 = arith.constant 0 : index
      %get3A_70 = arith.constant 0 : index
      %get3A_71 = arith.index_cast %add3A_68 : i32 to index
      %get3A_72 = memref.load %arg3[%get3A_69, %get3A_70, %get3A_71] : memref<1x1x500xi32, #tpu.memory_space<smem>>
      %get3A_73 = arith.index_cast %get3A_66 : i32 to index
      %get3A_74 = arith.constant 0 : index
      %get3A_75 = vector.load %arg4[%get3A_73, %get3A_74] : memref<10000x256xf32, #tpu.memory_space<vmem>>, vector<1x256xf32>
      %get3A_76 = arith.index_cast %get3A_72 : i32 to index
      %get3A_77 = arith.constant 0 : index
      %get3A_78 = vector.load %arg6[%get3A_76, %get3A_77] : memref<10000x256xf32, #tpu.memory_space<vmem>>, vector<1x256xf32>
      %add3A_79 = arith.addf %get3A_78, %get3A_75 : vector<1x256xf32>
      %swap3A_80 = arith.index_cast %get3A_72 : i32 to index
      %swap3A_81 = arith.constant 0 : index
      %swap3A_82 = vector.load %arg6[%swap3A_80, %swap3A_81] : memref<10000x256xf32, #tpu.memory_space<vmem>>, vector<1x256xf32>
      tpu.vector_store %arg6[%swap3A_80, %swap3A_81], %add3A_79 {strides = array<i32>} : memref<10000x256xf32, #tpu.memory_space<vmem>>, vector<1x256xf32>,
      %add3A_83 = arith.constant 1 : i32
      %add3A_84 = arith.addi %mul3A_60, %add3A_83 : i32
      %get3A_85 = arith.constant 0 : index
      %get3A_86 = arith.constant 0 : index
      %get3A_87 = arith.index_cast %add3A_84 : i32 to index
      %get3A_88 = memref.load %arg2[%get3A_85, %get3A_86, %get3A_87] : memref<1x1x500xi32, #tpu.memory_space<smem>>
      %add3A_89 = arith.constant 1 : i32
      %add3A_90 = arith.addi %mul3A_60, %add3A_89 : i32
      %get3A_91 = arith.constant 0 : index
      %get3A_92 = arith.constant 0 : index
      %get3A_93 = arith.index_cast %add3A_90 : i32 to index
      %get3A_94 = memref.load %arg3[%get3A_91, %get3A_92, %get3A_93] : memref<1x1x500xi32, #tpu.memory_space<smem>>
      %get3A_95 = arith.index_cast %get3A_88 : i32 to index
      %get3A_96 = arith.constant 0 : index
      %get3A_97 = vector.load %arg4[%get3A_95, %get3A_96] : memref<10000x256xf32, #tpu.memory_space<vmem>>, vector<1x256xf32>
      %get3A_98 = arith.index_cast %get3A_94 : i32 to index
      %get3A_99 = arith.constant 0 : index
      %get3A_100 = vector.load %arg7[%get3A_98, %get3A_99] : memref<10000x256xf32, #tpu.memory_space<vmem>>, vector<1x256xf32>
      %add3A_101 = arith.addf %get3A_100, %get3A_97 : vector<1x256xf32>
      %swap3A_102 = arith.index_cast %get3A_94 : i32 to index
      %swap3A_103 = arith.constant 0 : index
      %swap3A_104 = vector.load %arg7[%swap3A_102, %swap3A_103] : memref<10000x256xf32, #tpu.memory_space<vmem>>, vector<1x256xf32>
      tpu.vector_store %arg7[%swap3A_102, %swap3A_103], %add3A_101 {strides = array<i32>} : memref<10000x256xf32, #tpu.memory_space<vmem>>, vector<1x256xf32>,
      %scan3A_105 = arith.constant 250 : i32
    } else {
    }
    %ge3A = arith.constant 160 : i32
    %ge3A_6 = arith.cmpi sge, %arg1, %ge3A : i32
    %convert_element_type3A_7 = arith.extui %ge3A_6 : i1 to i32
    %cond3A_8 = arith.constant 0 : i32
    %cond3A_9 = arith.cmpi ne, %convert_element_type3A_7, %cond3A_8 : i32
    scf.if %cond3A_9 {
      %sub3A = arith.constant 160 : i32
      %sub3A_10 = arith.subi %arg1, %sub3A : i32
      %mul3A = arith.constant 400 : i32
      %mul3A_11 = arith.muli %sub3A_10, %mul3A : i32
      %get3A = arith.index_cast %mul3A_11 : i32 to index
      %get3A_12 = arith.constant 0 : index
      %get3A_13 = vector.load %arg6[%get3A, %get3A_12] : memref<10000x256xf32, #tpu.memory_space<vmem>>, vector<400x256xf32>
      %get3A_14 = arith.index_cast %mul3A_11 : i32 to index
      %get3A_15 = arith.constant 0 : index
      %get3A_16 = vector.load %arg7[%get3A_14, %get3A_15] : memref<10000x256xf32, #tpu.memory_space<vmem>>, vector<400x256xf32>
      %add3A = arith.addf %get3A_13, %get3A_16 : vector<400x256xf32>
      %reshape3A = vector.shape_cast %add3A : vector<400x256xf32> to vector<1x400x256xf32>
      %swap3A = arith.constant 0 : index
      %swap3A_17 = arith.constant 0 : index
      %swap3A_18 = arith.constant 0 : index
      %swap3A_19 = vector.load %arg5[%swap3A, %swap3A_17, %swap3A_18] : memref<1x400x256xf32, #tpu.memory_space<vmem>>, vector<1x400x256xf32>
      tpu.vector_store %arg5[%swap3A, %swap3A_17, %swap3A_18], %reshape3A {strides = array<i32>} : memref<1x400x256xf32, #tpu.memory_space<vmem>>, vector<1x400x256xf32>,
    } else {
    }
    return
  }
  func.func @transform_0(%arg0: i32, %arg1: i32) -> (i32, i32, i32) {
    %mul3A = arith.constant 160 : i32
    %mul3A_0 = arith.muli %arg0, %mul3A : i32
    %min3A = arith.constant 159 : i32
    %min3A_1 = arith.minsi %arg1, %min3A : i32
    %add3A = arith.addi %mul3A_0, %min3A_1 : i32
    %c0_i32 = arith.constant 0 : i32
    %c0_i32_2 = arith.constant 0 : i32
    %c0_i32_3 = arith.constant 0 : i32
    return %add3A, %c0_i32, %c0_i32_2 : i32, i32, i32
  }
  func.func @transform_1(%arg0: i32, %arg1: i32) -> (i32, i32, i32) {
    %mul3A = arith.constant 160 : i32
    %mul3A_0 = arith.muli %arg0, %mul3A : i32
    %min3A = arith.constant 159 : i32
    %min3A_1 = arith.minsi %arg1, %min3A : i32
    %add3A = arith.addi %mul3A_0, %min3A_1 : i32
    %c0_i32 = arith.constant 0 : i32
    %c0_i32_2 = arith.constant 0 : i32
    %c0_i32_3 = arith.constant 0 : i32
    return %add3A, %c0_i32, %c0_i32_2 : i32, i32, i32
  }
  func.func @transform_2(%arg0: i32, %arg1: i32) -> (i32, i32) {
    %c0_i32 = arith.constant 0 : i32
    %c0_i32_0 = arith.constant 0 : i32
    %c0_i32_1 = arith.constant 0 : i32
    return %c0_i32, %c0_i32_0 : i32, i32
  }
  func.func @transform_3(%arg0: i32, %arg1: i32) -> (i32, i32, i32) {
    %sub3A = arith.constant 160 : i32
    %sub3A_0 = arith.subi %arg1, %sub3A : i32
    %max3A = arith.constant 0 : i32
    %max3A_1 = arith.maxsi %sub3A_0, %max3A : i32
    %c0_i32 = arith.constant 0 : i32
    %c0_i32_2 = arith.constant 0 : i32
    return %arg0, %max3A_1, %c0_i32 : i32, i32, i32
  }
}

module attributes {stable_mosaic.version = 14 : i64} {
  func.func @_combine_mm_body(%arg0: i32, %arg1: memref<2x400x256xf32, #tpu.memory_space<vmem>>, %arg2: memref<400x256xf32, #tpu.memory_space<vmem>>, %arg3: memref<400x1xf32, #tpu.memory_space<vmem>>, %arg4: memref<1x256xf32, #tpu.memory_space<vmem>>, %arg5: memref<256x256xf32, #tpu.memory_space<vmem>>, %arg6: memref<400x256xf32, #tpu.memory_space<vmem>>) attributes {dimension_semantics = [#tpu.dimension_semantics<arbitrary>], iteration_bounds = array<i64: 25>, scalar_prefetch = 0 : i64, scratch_operands = 0 : i64, tpu.core_type = #tpu.core_type<tc>, window_params = [{transform_indices = @transform_0, window_bounds = array<i64: 2, 400, 256>}, {transform_indices = @transform_1, window_bounds = array<i64: 400, 256>}, {transform_indices = @transform_2, window_bounds = array<i64: 400, 1>}, {pipeline_mode = #tpu.pipeline_mode<synchronous>, transform_indices = @transform_3, window_bounds = array<i64: 1, 256>}, {pipeline_mode = #tpu.pipeline_mode<synchronous>, transform_indices = @transform_4, window_bounds = array<i64: 256, 256>}, {transform_indices = @transform_5, window_bounds = array<i64: 400, 256>}]} {
    %get3A = arith.constant 0 : index
    %get3A_0 = arith.constant 0 : index
    %get3A_1 = vector.load %arg3[%get3A, %get3A_0] : memref<400x1xf32, #tpu.memory_space<vmem>>, vector<400x1xf32>
    %get3A_2 = arith.constant 0 : index
    %get3A_3 = arith.constant 0 : index
    %get3A_4 = arith.constant 0 : index
    %get3A_5 = vector.load %arg1[%get3A_2, %get3A_3, %get3A_4] : memref<2x400x256xf32, #tpu.memory_space<vmem>>, vector<1x400x256xf32>
    %get3A_6 = vector.shape_cast %get3A_5 : vector<1x400x256xf32> to vector<400x256xf32>
    %get3A_7 = arith.constant 1 : index
    %get3A_8 = arith.constant 0 : index
    %get3A_9 = arith.constant 0 : index
    %get3A_10 = vector.load %arg1[%get3A_7, %get3A_8, %get3A_9] : memref<2x400x256xf32, #tpu.memory_space<vmem>>, vector<1x400x256xf32>
    %get3A_11 = vector.shape_cast %get3A_10 : vector<1x400x256xf32> to vector<400x256xf32>
    %add3A = arith.addf %get3A_6, %get3A_11 : vector<400x256xf32>
    %get3A_12 = arith.constant 0 : index
    %get3A_13 = arith.constant 0 : index
    %get3A_14 = vector.load %arg2[%get3A_12, %get3A_13] : memref<400x256xf32, #tpu.memory_space<vmem>>, vector<400x256xf32>
    %add3A_15 = arith.addf %add3A, %get3A_14 : vector<400x256xf32>
    %mul3A = vector.broadcast %get3A_1 : vector<400x1xf32> to vector<400x256xf32>
    %mul3A_16 = arith.mulf %mul3A, %add3A_15 : vector<400x256xf32>
    %get3A_17 = arith.constant 0 : index
    %get3A_18 = arith.constant 0 : index
    %get3A_19 = vector.load %arg4[%get3A_17, %get3A_18] : memref<1x256xf32, #tpu.memory_space<vmem>>, vector<1x256xf32>
    %add3A_20 = vector.broadcast %get3A_19 : vector<1x256xf32> to vector<400x256xf32>
    %add3A_21 = arith.addf %mul3A_16, %add3A_20 : vector<400x256xf32>
    %max3A = arith.constant 0.000000e+00 : f32
    %max3A_22 = vector.broadcast %max3A : f32 to vector<400x256xf32>
    %max3A_23 = arith.maximumf %add3A_21, %max3A_22 : vector<400x256xf32>
    %get3A_24 = arith.constant 0 : index
    %get3A_25 = arith.constant 0 : index
    %get3A_26 = vector.load %arg5[%get3A_24, %get3A_25] : memref<256x256xf32, #tpu.memory_space<vmem>>, vector<256x256xf32>
    %dot_general3A = arith.constant dense<0.000000e+00> : vector<400x256xf32>
    %dot_general3A_27 = tpu.matmul %max3A_23, %get3A_26, %dot_general3A {dimension_numbers = #tpu.dot_dimension_numbers<[1], [0], [0], [1], [0, 0, 1, 1], [], []>, transpose_lhs_hint = false} : vector<400x256xf32>, vector<256x256xf32>, vector<400x256xf32> -> vector<400x256xf32>
    %mul3A_28 = vector.broadcast %get3A_1 : vector<400x1xf32> to vector<400x256xf32>
    %mul3A_29 = arith.mulf %dot_general3A_27, %mul3A_28 : vector<400x256xf32>
    %swap3A = arith.constant 0 : index
    %swap3A_30 = arith.constant 0 : index
    %swap3A_31 = vector.load %arg6[%swap3A, %swap3A_30] : memref<400x256xf32, #tpu.memory_space<vmem>>, vector<400x256xf32>
    tpu.vector_store %arg6[%swap3A, %swap3A_30], %mul3A_29 {strides = array<i32>} : memref<400x256xf32, #tpu.memory_space<vmem>>, vector<400x256xf32>,
    return
  }
  func.func @transform_0(%arg0: i32) -> (i32, i32, i32) {
    %c0_i32 = arith.constant 0 : i32
    %c0_i32_0 = arith.constant 0 : i32
    %c0_i32_1 = arith.constant 0 : i32
    return %c0_i32, %arg0, %c0_i32_0 : i32, i32, i32
  }
  func.func @transform_1(%arg0: i32) -> (i32, i32) {
    %c0_i32 = arith.constant 0 : i32
    %c0_i32_0 = arith.constant 0 : i32
    return %arg0, %c0_i32 : i32, i32
  }
  func.func @transform_2(%arg0: i32) -> (i32, i32) {
    %c0_i32 = arith.constant 0 : i32
    %c0_i32_0 = arith.constant 0 : i32
    return %arg0, %c0_i32 : i32, i32
  }
  func.func @transform_3(%arg0: i32) -> (i32, i32) {
    %c0_i32 = arith.constant 0 : i32
    %c0_i32_0 = arith.constant 0 : i32
    %c0_i32_1 = arith.constant 0 : i32
    return %c0_i32, %c0_i32_0 : i32, i32
  }
  func.func @transform_4(%arg0: i32) -> (i32, i32) {
    %c0_i32 = arith.constant 0 : i32
    %c0_i32_0 = arith.constant 0 : i32
    %c0_i32_1 = arith.constant 0 : i32
    return %c0_i32, %c0_i32_0 : i32, i32
  }
  func.func @transform_5(%arg0: i32) -> (i32, i32) {
    %c0_i32 = arith.constant 0 : i32
    %c0_i32_0 = arith.constant 0 : i32
    return %arg0, %c0_i32 : i32, i32
  }
}

module attributes {stable_mosaic.version = 14 : i64} {
  func.func @_final_body(%arg0: i32, %arg1: memref<2x400x256xf32, #tpu.memory_space<vmem>>, %arg2: memref<400x256xf32, #tpu.memory_space<vmem>>, %arg3: memref<400x1xf32, #tpu.memory_space<vmem>>, %arg4: memref<1x256xf32, #tpu.memory_space<vmem>>, %arg5: memref<256x256xf32, #tpu.memory_space<vmem>>, %arg6: memref<1x256xf32, #tpu.memory_space<vmem>>, %arg7: memref<256x128xf32, #tpu.memory_space<vmem>>, %arg8: memref<1x128xf32, #tpu.memory_space<vmem>>, %arg9: memref<1x128xf32, #tpu.memory_space<vmem>>, %arg10: memref<1x256xf32, #tpu.memory_space<vmem>>) attributes {dimension_semantics = [#tpu.dimension_semantics<arbitrary>], iteration_bounds = array<i64: 25>, scalar_prefetch = 0 : i64, scratch_operands = 1 : i64, tpu.core_type = #tpu.core_type<tc>, window_params = [{transform_indices = @transform_0, window_bounds = array<i64: 2, 400, 256>}, {transform_indices = @transform_1, window_bounds = array<i64: 400, 256>}, {transform_indices = @transform_2, window_bounds = array<i64: 400, 1>}, {pipeline_mode = #tpu.pipeline_mode<synchronous>, transform_indices = @transform_3, window_bounds = array<i64: 1, 256>}, {pipeline_mode = #tpu.pipeline_mode<synchronous>, transform_indices = @transform_4, window_bounds = array<i64: 256, 256>}, {pipeline_mode = #tpu.pipeline_mode<synchronous>, transform_indices = @transform_5, window_bounds = array<i64: 1, 256>}, {pipeline_mode = #tpu.pipeline_mode<synchronous>, transform_indices = @transform_6, window_bounds = array<i64: 256, 128>}, {pipeline_mode = #tpu.pipeline_mode<synchronous>, transform_indices = @transform_7, window_bounds = array<i64: 1, 128>}, {pipeline_mode = #tpu.pipeline_mode<synchronous>, transform_indices = @transform_8, window_bounds = array<i64: 1, 128>}]} {
    %eq3A = arith.constant 0 : i32
    %eq3A_0 = arith.cmpi eq, %arg0, %eq3A : i32
    %convert_element_type3A = arith.extui %eq3A_0 : i1 to i32
    %cond3A = arith.constant 0 : i32
    %cond3A_1 = arith.cmpi ne, %convert_element_type3A, %cond3A : i32
    scf.if %cond3A_1 {
      %broadcast_in_dim3A_38 = arith.constant 0.000000e+00 : f32
      %broadcast_in_dim3A_39 = vector.broadcast %broadcast_in_dim3A_38 : f32 to vector<1x256xf32>
      %swap3A_40 = arith.constant 0 : index
      %swap3A_41 = arith.constant 0 : index
      %swap3A_42 = vector.load %arg10[%swap3A_40, %swap3A_41] : memref<1x256xf32, #tpu.memory_space<vmem>>, vector<1x256xf32>
      tpu.vector_store %arg10[%swap3A_40, %swap3A_41], %broadcast_in_dim3A_39 {strides = array<i32>} : memref<1x256xf32, #tpu.memory_space<vmem>>, vector<1x256xf32>,
    } else {
    }
    %get3A = arith.constant 0 : index
    %get3A_2 = arith.constant 0 : index
    %get3A_3 = vector.load %arg3[%get3A, %get3A_2] : memref<400x1xf32, #tpu.memory_space<vmem>>, vector<400x1xf32>
    %get3A_4 = arith.constant 0 : index
    %get3A_5 = arith.constant 0 : index
    %get3A_6 = arith.constant 0 : index
    %get3A_7 = vector.load %arg1[%get3A_4, %get3A_5, %get3A_6] : memref<2x400x256xf32, #tpu.memory_space<vmem>>, vector<1x400x256xf32>
    %get3A_8 = vector.shape_cast %get3A_7 : vector<1x400x256xf32> to vector<400x256xf32>
    %get3A_9 = arith.constant 1 : index
    %get3A_10 = arith.constant 0 : index
    %get3A_11 = arith.constant 0 : index
    %get3A_12 = vector.load %arg1[%get3A_9, %get3A_10, %get3A_11] : memref<2x400x256xf32, #tpu.memory_space<vmem>>, vector<1x400x256xf32>
    %get3A_13 = vector.shape_cast %get3A_12 : vector<1x400x256xf32> to vector<400x256xf32>
    %add3A = arith.addf %get3A_8, %get3A_13 : vector<400x256xf32>
    %get3A_14 = arith.constant 0 : index
    %get3A_15 = arith.constant 0 : index
    %get3A_16 = vector.load %arg2[%get3A_14, %get3A_15] : memref<400x256xf32, #tpu.memory_space<vmem>>, vector<400x256xf32>
    %add3A_17 = arith.addf %add3A, %get3A_16 : vector<400x256xf32>
    %mul3A = vector.broadcast %get3A_3 : vector<400x1xf32> to vector<400x256xf32>
    %mul3A_18 = arith.mulf %mul3A, %add3A_17 : vector<400x256xf32>
    %get3A_19 = arith.constant 0 : index
    %get3A_20 = arith.constant 0 : index
    %get3A_21 = vector.load %arg4[%get3A_19, %get3A_20] : memref<1x256xf32, #tpu.memory_space<vmem>>, vector<1x256xf32>
    %add3A_22 = vector.broadcast %get3A_21 : vector<1x256xf32> to vector<400x256xf32>
    %add3A_23 = arith.addf %mul3A_18, %add3A_22 : vector<400x256xf32>
    %max3A = arith.constant 0.000000e+00 : f32
    %max3A_24 = vector.broadcast %max3A : f32 to vector<400x256xf32>
    %max3A_25 = arith.maximumf %add3A_23, %max3A_24 : vector<400x256xf32>
    %get3A_26 = arith.constant 0 : index
    %get3A_27 = arith.constant 0 : index
    %get3A_28 = vector.load %arg10[%get3A_26, %get3A_27] : memref<1x256xf32, #tpu.memory_space<vmem>>, vector<1x256xf32>
    %reduce_sum3A = arith.constant dense<0.000000e+00> : vector<256xf32>
    %reduce_sum3A_29 = vector.multi_reduction <add>, %max3A_25, %reduce_sum3A [0] : vector<400x256xf32> to vector<256xf32>
    %broadcast_in_dim3A = vector.shape_cast %reduce_sum3A_29 : vector<256xf32> to vector<1x256xf32>
    %add3A_30 = arith.addf %get3A_28, %broadcast_in_dim3A : vector<1x256xf32>
    %swap3A = arith.constant 0 : index
    %swap3A_31 = arith.constant 0 : index
    %swap3A_32 = vector.load %arg10[%swap3A, %swap3A_31] : memref<1x256xf32, #tpu.memory_space<vmem>>, vector<1x256xf32>
    tpu.vector_store %arg10[%swap3A, %swap3A_31], %add3A_30 {strides = array<i32>} : memref<1x256xf32, #tpu.memory_space<vmem>>, vector<1x256xf32>,
    %eq3A_33 = arith.constant 24 : i32
    %eq3A_34 = arith.cmpi eq, %arg0, %eq3A_33 : i32
    %convert_element_type3A_35 = arith.extui %eq3A_34 : i1 to i32
    %cond3A_36 = arith.constant 0 : i32
    %cond3A_37 = arith.cmpi ne, %convert_element_type3A_35, %cond3A_36 : i32
    scf.if %cond3A_37 {
      %get3A_38 = arith.constant 0 : index
      %get3A_39 = arith.constant 0 : index
      %get3A_40 = vector.load %arg10[%get3A_38, %get3A_39] : memref<1x256xf32, #tpu.memory_space<vmem>>, vector<1x256xf32>
      %mul3A_41 = arith.constant 9.99999974E-5 : f32
      %mul3A_42 = vector.broadcast %mul3A_41 : f32 to vector<1x256xf32>
      %mul3A_43 = arith.mulf %get3A_40, %mul3A_42 : vector<1x256xf32>
      %get3A_44 = arith.constant 0 : index
      %get3A_45 = arith.constant 0 : index
      %get3A_46 = vector.load %arg5[%get3A_44, %get3A_45] : memref<256x256xf32, #tpu.memory_space<vmem>>, vector<256x256xf32>
      %dot_general3A = arith.constant dense<0.000000e+00> : vector<1x256xf32>
      %dot_general3A_47 = tpu.matmul %mul3A_43, %get3A_46, %dot_general3A {dimension_numbers = #tpu.dot_dimension_numbers<[1], [0], [0], [1], [0, 0, 1, 1], [], []>, transpose_lhs_hint = false} : vector<1x256xf32>, vector<256x256xf32>, vector<1x256xf32> -> vector<1x256xf32>
      %get3A_48 = arith.constant 0 : index
      %get3A_49 = arith.constant 0 : index
      %get3A_50 = vector.load %arg6[%get3A_48, %get3A_49] : memref<1x256xf32, #tpu.memory_space<vmem>>, vector<1x256xf32>
      %add3A_51 = arith.addf %dot_general3A_47, %get3A_50 : vector<1x256xf32>
      %max3A_52 = arith.constant 0.000000e+00 : f32
      %max3A_53 = vector.broadcast %max3A_52 : f32 to vector<1x256xf32>
      %max3A_54 = arith.maximumf %add3A_51, %max3A_53 : vector<1x256xf32>
      %get3A_55 = arith.constant 0 : index
      %get3A_56 = arith.constant 0 : index
      %get3A_57 = vector.load %arg7[%get3A_55, %get3A_56] : memref<256x128xf32, #tpu.memory_space<vmem>>, vector<256x128xf32>
      %dot_general3A_58 = arith.constant dense<0.000000e+00> : vector<1x128xf32>
      %dot_general3A_59 = tpu.matmul %max3A_54, %get3A_57, %dot_general3A_58 {dimension_numbers = #tpu.dot_dimension_numbers<[1], [0], [0], [1], [0, 0, 1, 1], [], []>, transpose_lhs_hint = false} : vector<1x256xf32>, vector<256x128xf32>, vector<1x128xf32> -> vector<1x128xf32>
      %get3A_60 = arith.constant 0 : index
      %get3A_61 = arith.constant 0 : index
      %get3A_62 = vector.load %arg8[%get3A_60, %get3A_61] : memref<1x128xf32, #tpu.memory_space<vmem>>, vector<1x128xf32>
      %add3A_63 = arith.addf %dot_general3A_59, %get3A_62 : vector<1x128xf32>
      %max3A_64 = arith.constant 0.000000e+00 : f32
      %max3A_65 = vector.broadcast %max3A_64 : f32 to vector<1x128xf32>
      %max3A_66 = arith.maximumf %add3A_63, %max3A_65 : vector<1x128xf32>
      %swap3A_67 = arith.constant 0 : index
      %swap3A_68 = arith.constant 0 : index
      %swap3A_69 = vector.load %arg9[%swap3A_67, %swap3A_68] : memref<1x128xf32, #tpu.memory_space<vmem>>, vector<1x128xf32>
      tpu.vector_store %arg9[%swap3A_67, %swap3A_68], %max3A_66 {strides = array<i32>} : memref<1x128xf32, #tpu.memory_space<vmem>>, vector<1x128xf32>,
    } else {
    }
    return
  }
  func.func @transform_0(%arg0: i32) -> (i32, i32, i32) {
    %c0_i32 = arith.constant 0 : i32
    %c0_i32_0 = arith.constant 0 : i32
    %c0_i32_1 = arith.constant 0 : i32
    return %c0_i32, %arg0, %c0_i32_0 : i32, i32, i32
  }
  func.func @transform_1(%arg0: i32) -> (i32, i32) {
    %c0_i32 = arith.constant 0 : i32
    %c0_i32_0 = arith.constant 0 : i32
    return %arg0, %c0_i32 : i32, i32
  }
  func.func @transform_2(%arg0: i32) -> (i32, i32) {
    %c0_i32 = arith.constant 0 : i32
    %c0_i32_0 = arith.constant 0 : i32
    return %arg0, %c0_i32 : i32, i32
  }
  func.func @transform_3(%arg0: i32) -> (i32, i32) {
    %c0_i32 = arith.constant 0 : i32
    %c0_i32_0 = arith.constant 0 : i32
    %c0_i32_1 = arith.constant 0 : i32
    return %c0_i32, %c0_i32_0 : i32, i32
  }
  func.func @transform_4(%arg0: i32) -> (i32, i32) {
    %c0_i32 = arith.constant 0 : i32
    %c0_i32_0 = arith.constant 0 : i32
    %c0_i32_1 = arith.constant 0 : i32
    return %c0_i32, %c0_i32_0 : i32, i32
  }
  func.func @transform_5(%arg0: i32) -> (i32, i32) {
    %c0_i32 = arith.constant 0 : i32
    %c0_i32_0 = arith.constant 0 : i32
    %c0_i32_1 = arith.constant 0 : i32
    return %c0_i32, %c0_i32_0 : i32, i32
  }
  func.func @transform_6(%arg0: i32) -> (i32, i32) {
    %c0_i32 = arith.constant 0 : i32
    %c0_i32_0 = arith.constant 0 : i32
    %c0_i32_1 = arith.constant 0 : i32
    return %c0_i32, %c0_i32_0 : i32, i32
  }
  func.func @transform_7(%arg0: i32) -> (i32, i32) {
    %c0_i32 = arith.constant 0 : i32
    %c0_i32_0 = arith.constant 0 : i32
    %c0_i32_1 = arith.constant 0 : i32
    return %c0_i32, %c0_i32_0 : i32, i32
  }
  func.func @transform_8(%arg0: i32) -> (i32, i32) {
    %c0_i32 = arith.constant 0 : i32
    %c0_i32_0 = arith.constant 0 : i32
    %c0_i32_1 = arith.constant 0 : i32
    return %c0_i32, %c0_i32_0 : i32, i32
  }
}

</mosaic_0001>

<sc_bundles>
// kernel: kernel.9.cloned.1.call-start
scs
__scs_entry_jumppad:
0x0: {  	(pc) =	sbr.rel $0x88, $3  }
0x1: {  	(tag) =	ssettag $0x0;
	lr =	simm.s32 $0x1  }
0x2: {  	[smem:$0x3F97] =	sst lr;
	_ =	strace $0xD0000000  }
0x3: {  	_ = 	snop  }
0x4: {  	_ = 	snop  }
0x5: {  	_ = 	snop  }
0x6: {  	_ = 	snop  }
0x7: {  	_ = 	snop  }
__scs_overlays_trampoline_lowered:
0x8: {  	[smem:$0x3FA6] =	sst s0  }
0x9: {  	[smem:$0x3FA7] =	sst s1  }
0xa: {  	[smem:$0x3FA8] =	sst s2  }
0xb: {  	[smem:$0x3FA9] =	sst s3  }
0xc: {  	[smem:$0x3FAA] =	sst s4  }
0xd: {  	[smem:$0x3FAB] =	sst s5  }
0xe: {  	[smem:$0x3FAC] =	sst s6  }
0xf: {  	[smem:$0x3FAD] =	sst s7  }
0x10: {  	[smem:$0x3FAE] =	sst s8  }
0x11: {  	[smem:$0x3FAF] =	sst s9;
	s0 =	simm.s32 @!p0 $0x0  }
0x12: {  	s1 =	sld [smem:$0x3F95];
	s0 =	simm.s32 @p0 $0x1  }
0x13: {  	[smem:$0x3FB0] =	sst s0;
	s0 =	simm.s32 @!p1 $0x0  }
0x14: {  	s2 =	sld [smem:$0x3F94];
	s0 =	simm.s32 @p1 $0x1  }
0x15: {  	[smem:$0x3FB1] =	sst s0;
	s0 =	simm.s32 @!p2 $0x0  }
0x16: {  	s3 =	sld [smem:$0x3FDB];
	s0 =	simm.s32 @p2 $0x1  }
0x17: {  	s4 =	simm.s32 $0x1BF5;
	[smem:$0x3FB3] =	sst s0  }
0x18: {  	s0 =	sld [smem:$0x3F96];
	_ =	swait.ge [sflag:s4], $0x0  }
0x19: {  	s7 =	sld [smem:$0x3F97]  }
0x1a: {  	s8 =	sadd.s32 $0xFFFFE003, lr  }
0x1b: {  	s9 =	sadd.s32 $0xFFFFFEF7, lr;
	s5 =	simm.s32 $0xFFFFFFFF;
	p2 =	slt.u32 s8, $0xFFFFF086  }
0x1c: {  	p1 =	slt.u32 s9, $0xF7A;
	s5 =	simm.s32 @!p2 $0x0  }
0x1d: {  	s5 =	simm.s32 @p1 $0x1;
	p0 =	seq.s32 s7, s2  }
0x1e: {  	s7 =	smul.u32 @!p0 $0xF7A, s2;
	p2 =	seq.s32 @!p0 s5, $0x0  }
0x1f: {  	s9 =	smul.u32 $0xF7A, s1;
	s8 =	simm.s32 @!p0 $0x1BF5;
	p2 =	por !p2, p0  }
0x20: {  	[sflag:s8] =	ssyncset.s32 @!p0 $0xFFFFF086;
	s6 =	sadd.s32 @!p0 s3, s7;
	s7 =	simm.s32 @!p0 $0x108  }
0x21: {  	s3 =	sadd.s32 s3, s9;
	s6 =	sadd.s32 @!p0 $0x88, s6;
	s7 =	simm.s32 @p2 $0x1082  }
0x22: {  	[simem:s7], [sflag:s8] =	dma.local @!p0 [hbm:s6], $0xF7A  }
0x23: {  	s9 =	sor.u32 $0xD0000000, s2;
	s6 =	simm.s32 $0x108;
	_ =	swait.ge @!p0 [sflag:s8], $0x0  }
0x24: {  	s3 =	sadd.s32 $0x88, s3;
	s6 =	simm.s32 @!p1 $0x1082;
	[sflag:s4] =	ssyncset.s32 $0xFFFFF086  }
0x25: {  	[simem:s6], [sflag:s4] =	dma.local [hbm:s3], $0xF7A  }
0x26: {  	[smem:$0x3F97] =	sst s1;
	(tag) =	ssettag s2;
	_ =	strace s9  }
0x27: {  	s1 =	sld [smem:$0x3FA7]  }
0x28: {  	s2 =	sld [smem:$0x3FA8]  }
0x29: {  	s4 =	sld [smem:$0x3FAA]  }
0x2a: {  	p0 =	seq.s32 s5, $0x0;
	s5 =	sld [smem:$0x3FAB]  }
0x2b: {  	s6 =	sld [smem:$0x3FAC]  }
0x2c: {  	s7 =	sld [smem:$0x3FAD]  }
0x2d: {  	s3 =	simm.s32 $0x108;
	s8 =	sld [smem:$0x3FAE]  }
0x2e: {  	s3 =	simm.s32 @!p0 $0x1082;
	s9 =	sld [smem:$0x3FAF]  }
0x2f: {  	lr =	sadd.s32 s0, s3;
	s0 =	sld [smem:$0x3FA6]  }
0x30: {  	s3 =	sld [smem:$0x3FA9]  }
0x31: {  	[smem:$0x3FB2] =	sst s10  }
0x32: {  	s10 =	sld [smem:$0x3FB0];
	_ =	sdelay $0x3  }
0x33: {  	p0 =	seq.s32 s10, $0x1;
	s10 =	sld [smem:$0x3FB2];
	_ =	sdelay $0x3  }
0x34: {  	[smem:$0x3FB2] =	sst s10  }
0x35: {  	s10 =	sld [smem:$0x3FB1];
	_ =	sdelay $0x3  }
0x36: {  	p1 =	seq.s32 s10, $0x1;
	s10 =	sld [smem:$0x3FB2];
	_ =	sdelay $0x3  }
0x37: {  	[smem:$0x3FB2] =	sst s10  }
0x38: {  	s10 =	sld [smem:$0x3FB3]  }
0x39: {  	_ = 	snop;
	(pc) =	sbr.ind lr, $3  }
0x3a: {  	_ = 	snop  }
0x3b: {  	_ = 	snop  }
0x3c: {  	p2 =	seq.s32 s10, $0x1;
	s10 =	sld [smem:$0x3FB2]  }
0x3d: {  	_ =	shalt  }
0x3e: {  	_ =	shalt  }
0x3f: {  	_ =	shalt  }
0x40: {  	_ =	shalt  }
0x41: {  	_ =	shalt  }
0x42: {  	_ =	shalt  }
0x43: {  	_ =	shalt  }
0x44: {  	_ =	shalt  }
0x45: {  	_ =	shalt  }
0x46: {  	_ =	shalt  }
0x47: {  	_ =	shalt  }
0x48: {  	_ =	shalt  }
0x49: {  	_ =	shalt  }
0x4a: {  	_ =	shalt  }
0x4b: {  	_ =	shalt  }
0x4c: {  	_ =	shalt  }
0x4d: {  	_ =	shalt  }
0x4e: {  	_ =	shalt  }
0x4f: {  	_ =	shalt  }
0x50: {  	_ =	shalt  }
0x51: {  	_ =	shalt  }
0x52: {  	_ =	shalt  }
0x53: {  	_ =	shalt  }
0x54: {  	_ =	shalt  }
0x55: {  	_ =	shalt  }
0x56: {  	_ =	shalt  }
0x57: {  	_ =	shalt  }
0x58: {  	_ =	shalt  }
0x59: {  	_ =	shalt  }
0x5a: {  	_ =	shalt  }
0x5b: {  	_ =	shalt  }
0x5c: {  	_ =	shalt  }
0x5d: {  	_ =	shalt  }
0x5e: {  	_ =	shalt  }
0x5f: {  	_ =	shalt  }
0x60: {  	_ =	shalt  }
0x61: {  	_ =	shalt  }
0x62: {  	_ =	shalt  }
0x63: {  	_ =	shalt  }
0x64: {  	_ =	shalt  }
0x65: {  	_ =	shalt  }
0x66: {  	_ =	shalt  }
0x67: {  	_ =	shalt  }
0x68: {  	_ =	shalt  }
0x69: {  	_ =	shalt  }
0x6a: {  	_ =	shalt  }
0x6b: {  	_ =	shalt  }
0x6c: {  	_ =	shalt  }
0x6d: {  	_ =	shalt  }
0x6e: {  	_ =	shalt  }
0x6f: {  	_ =	shalt  }
0x70: {  	_ =	shalt  }
0x71: {  	_ =	shalt  }
0x72: {  	_ =	shalt  }
0x73: {  	_ =	shalt  }
0x74: {  	_ =	shalt  }
0x75: {  	_ =	shalt  }
0x76: {  	_ =	shalt  }
0x77: {  	_ =	shalt  }
0x78: {  	_ =	shalt  }
0x79: {  	_ =	shalt  }
0x7a: {  	_ =	shalt  }
0x7b: {  	_ =	shalt  }
0x7c: {  	_ =	shalt  }
0x7d: {  	_ =	shalt  }
0x7e: {  	_ =	shalt  }
0x7f: {  	_ =	shalt  }
0x80: {  	_ =	shalt  }
0x81: {  	_ =	shalt  }
0x82: {  	_ =	shalt  }
0x83: {  	_ =	shalt  }
0x84: {  	_ =	shalt  }
0x85: {  	_ =	shalt  }
0x86: {  	_ =	shalt  }
0x87: {  	_ =	shalt  }
.Lfunc_end0:
.L_simem_size_0:
called_computation_lowered:
.L_overlay_start_0:
0x88: {  	s2 =	sld [smem:$0x3FD9]  }
0x89: {  	s3 =	sld [smem:$0x3FFE];
	_ =	sdelay $0x1  }
0x8a: {  	s1 =	srdreg.scid  }
0x8b: {  	s0 =	sand.u32 $0x1, s1  }
0x8c: {  	s16 =	sshll.u32 s0, $0xA;
	s2 =	sadd.s32 s3, s2  }
0x8d: {  	s2 =	sadd.s32 s2, s16  }
0x8e: {  	[smem:$0x3FBE] =	sst s2  }
0x8f: {  	_ = 	snop  }
0x90: {  	(tm) =	ssettm $0x1  }
0x91: {  	s17 =	sld [smem:$0x3FFB];
	_ =	sdelay $0x3  }
0x92: {  	_ =	strace s17  }
0x93: {  	s2 =	sld [smem:$0x3FFC];
	_ =	sdelay $0x3  }
0x94: {  	_ =	strace s2  }
0x95: {  	s2 =	sld [smem:$0x3FFD];
	_ =	sdelay $0x3  }
0x96: {  	_ =	strace s2  }
0x97: {  	_ =	strace $0x8FFFFFFF  }
0x98: {  	s18 =	sld [smem:$0x3FDB];
	_ =	sdelay $0x1  }
0x99: {  	s19 =	simm.s32 $_scs_section_size  }
0x9a: {  	s4 =	simm.s32 $_size__tile_overlayer_lowered;
	s5 =	simm.s32 $_tile_overlayer_lowered  }
0x9b: {  	s22 =	simm.s32 $0x1BFF;
	s21 =	sshll.u32 s5, $0x1;
	s2 =	sadd.s32 s19, s18  }
0x9c: {  	s6 =	simm.s32 $0x0;
	s20 =	sshll.u32 s4, $0x1;
	s4 =	sadd.s32 s21, s2  }
0x9d: {  	[timem:s6], [sflag:s22] =	dma.local [hbm:s4], s20  }
0x9e: {  	_ =	swait.ge [sflag:s22], s20  }
0x9f: {  	s3 =	ssub.s32 $0x0, s20;
	[sflag:s22] =	ssyncset.done $0x0  }
0xa0: {  	[sflag:s22] =	ssyncadd.s32 s3;
	_ =	sdelay $0x1  }
0xa1: {  	s23 =	simm.s32 $0x1B8B  }
0xa2: {  	_ =	swait.ge [sflag:s23], $0x1  }
0xa3: {  	[sflag:s23] =	ssyncset.done $0x0  }
0xa4: {  	s25 =	simm.s32 $0x1B8E;
	s24 =	sld [smem:$0x3FFE];
	[sflag:s23] =	ssyncadd.s32 $0xFFFFFFFF  }
0xa5: {  	s26 =	simm.s32 $execute0_lowered;
	[smem:$0x3FD2] =	sst s25  }
0xa6: {  	s4 =	sshll.u32 s26, $0x1;
	_ =	strace $0x80000046;
	[dreg:$0x1] =	wrdreg $0xFFFFFFFF  }
0xa7: {  	s28 =	simm.s32 $_size_execute0_lowered;
	s2 =	sadd.s32 s2, s4;
	[dreg:$0x0] =	wrdreg $0x0  }
0xa8: {  	s4 =	sshll.u32 s28, $0x1;
	[dreg:$0x2] =	wrdreg s2  }
0xa9: {  	[dreg:$0x3] =	wrdreg s4  }
0xaa: {  	[dreg:$0x4] =	wrdreg $0xC0  }
0xab: {  	_ =	task [dreg:s6], $0x5FFFF  }
0xac: {  	[dreg:$0x1] =	wrdreg $0xFFFFFFFF  }
0xad: {  	[dreg:$0x0] =	wrdreg $0x60  }
0xae: {  	[dreg:$0x2] =	wrdreg s24  }
0xaf: {  	[dreg:$0x3] =	wrdreg $0x9  }
0xb0: {  	_ =	task.clear_ibuf [dreg:s6], $0x4FFFF;
	_ =	strace $0x90000046  }
0xb1: {  	s29 =	simm.s32 $0x9;
	_ =	strace $0x80000048  }
0xb2: {  	_ =	swait.ge [sflag:s29], $0x1  }
0xb3: {  	[sflag:s29] =	ssyncadd.s32 $0xFFFFFFFF  }
0xb4: {  	_ =	strace $0x90000048  }
0xb5: {  	_ =	sfence  }
0xb6: {  	s30 =	sld [smem:$0x0];
	_ =	sdelay $0x2  }
0xb7: {  	s31 =	sshll.u32 s1, $0xD;
	s1 =	sshrl.u32 s1, $0x2  }
0xb8: {  	s3 =	sand.u32 $0x4000, s31;
	s1 =	sadd.s32 s1, s30  }
0xb9: {  	s0 =	sor.u32 s3, s0;
	s1 =	sshll.u32 s1, $0x11  }
0xba: {  	s0 =	sor.u32 s1, s0  }
0xbb: {  	s0 =	sadd.s32 $0x8F2B, s0  }
0xbc: {  	[sflag:s0] =	ssyncadd.remote.s32 $0x1  }
0xbd: {  	_ =	sfence.sel $0xFFFF  }
0xbe: {  	[dreg:$0x0] =	wrdreg $0xFFFFFFFF;
	(pc) =	sbr.abs _section_cstart, $3  }
0xbf: {  	[dreg:$0x1] =	wrdreg $0xFFFFFFFF  }
0xc0: {  	_ =	task.clear_ibuf [dreg:s6], $0x2FFFF;
	_ =	strace $0x9FFFFFFF  }
0xc1: {  	(tm) =	ssettm $0x7FFFFFFF  }
tec
execute0_lowered:
.L_overlay_start_1:
0x0: {  	(tag) =	ssettag $0x1  }
0x1: {  	s0 =	srdreg.scid  }
0x2: {  	s5 =	rddreg [dreg:$0x0];
	s4 =	sand.u32 $0x1, s0  }
0x3: {  	s3 =	simm.s32 $0x0;
	s0 =	stileid.u32;
	s1 =	sshll.u32 s4, $0x4  }
0x4: {  	[smem:$0x7FF] =	sst s3;
	s7 =	sshll.u32 s0, $0x7;
	s2 =	sor.u32 s0, s1  }
0x5: {  	s8 =	sshll.u32 s4, $0x8;
	s4 =	ssub.s32 $0x2, s4;
	s6 =	sshrl.u32 s2, $0x3  }
0x6: {  	s9 =	sshll.u32 s0, $0x4;
	s1 =	rddreg [dreg:$0x1];
	s6 =	smul.u32 $0x14000, s6  }
0x7: {  	_ =	strace $0x80000047;
	s7 =	sand.u32 $0x380, s7;
	s29 =	sshrl.u32 s4, $0x1  }
0x8: {  	s8 =	sadd.s32 s8, s5;
	s30 =	ssub.s32 s4, s29;
	s6 =	sor.u32 s7, s6  }
0x9: {  	s31 =	sadd.s32 s9, s8;
	s8 =	simm.s32 $0x80;
	s6 =	sshrl.u32 s6, $0x3  }
0xa: {  	s9 =	simm.s32 $0x1;
	s7 =	simm.s32 $0x400;
	s5 =	sadd.s32 s6, s5  }
0xb: {  	v0 =	vimm.f32 $0.0e+00;
	s6 =	sadd.s32 $0xE00, s31;
	s4 =	sadd.s32 $0x5E00, s5;
	s5 =	smax.u32 s30, $0x1  }
.LBB2_1:
0xc: {  	s10 =	simm.s32 $0x0  }
.LBB2_2:
0xd: {  	p0 =	sne.s32 s10, $0x9FC0  }
.Ltmp0:
0xe: {  	_ = 	snop;
	(pc) =	sbr.rel @p0 .LBB2_2-.Ltmp0, $3  }
0xf: {  	_ =	sdelay $0x1  }
0x10: {  	s11 =	sshra.s32 s10, $0x2  }
0x11: {  	s10 =	sadd.s32 $0x40, s10;
	[tilespmem:s11+$0x80] =	vst v0  }
0x12: {  	s10 =	simm.s32 $0x0;
	s11 =	smov.u32 s6  }
.LBB2_4:
0x13: {  	s12 =	sadd.s32 s10, s2  }
0x14: {  	p0 =	sgt.u32 s12, $0x4E1  }
0x15: {  	s12 =	simm.s32 @!p0 $0x0  }
0x16: {  	[tilespmem:s12], [sflag:$0x1] =	stream.linear.gather @!p0 [hbm4b:s11+s12], $0x80, $0x38;
	[tilespmem:$0x2880] =	vst v63  }
0x17: {  	s12 =	simm.s32 @!p0 $0x1  }
0x18: {  	_ =	swait.ge @!p0 [sflag:s12], $0x80  }
0x19: {  	[sflag:s12] =	ssyncset.done @!p0 $0x0  }
0x1a: {  	[sflag:s12] =	ssyncadd.s32 @!p0 $0xFFFFFF80  }
0x1b: {  	v1 =	vld @!p0 [tilespmem:$0x0];
	_ =	sdelay $0x6  }
0x1c: {  	v2 =	vimm.f32 @!p0 $1.000000000e+00;
	s12 =	simm.s32 @!p0 $0x80  }
0x1d: {  	[tilespmem:v1+s12+$0x0] =	vst.idx.add.f32.msk @!p0 $0xffff, v2  }
0x1e: {  	v1 =	vld @!p0 [tilespmem:$0x10];
	_ =	sdelay $0x7  }
0x1f: {  	[tilespmem:v1+s12+$0x0] =	vst.idx.add.f32.msk @!p0 $0xffff, v2  }
0x20: {  	v1 =	vld @!p0 [tilespmem:$0x20];
	_ =	sdelay $0x7  }
0x21: {  	[tilespmem:v1+s12+$0x0] =	vst.idx.add.f32.msk @!p0 $0xffff, v2  }
0x22: {  	v1 =	vld @!p0 [tilespmem:$0x30];
	_ =	sdelay $0x7  }
0x23: {  	[tilespmem:v1+s12+$0x0] =	vst.idx.add.f32.msk @!p0 $0xffff, v2  }
0x24: {  	v1 =	vld @!p0 [tilespmem:$0x40];
	_ =	sdelay $0x7  }
0x25: {  	[tilespmem:v1+s12+$0x0] =	vst.idx.add.f32.msk @!p0 $0xffff, v2  }
0x26: {  	v1 =	vld @!p0 [tilespmem:$0x50];
	_ =	sdelay $0x7  }
0x27: {  	[tilespmem:v1+s12+$0x0] =	vst.idx.add.f32.msk @!p0 $0xffff, v2  }
0x28: {  	v1 =	vld @!p0 [tilespmem:$0x60];
	_ =	sdelay $0x7  }
0x29: {  	[tilespmem:v1+s12+$0x0] =	vst.idx.add.f32.msk @!p0 $0xffff, v2  }
0x2a: {  	v1 =	vld @!p0 [tilespmem:$0x70];
	_ =	sdelay $0x1  }
0x2b: {  	s10 =	sadd.s32 $0x20, s10  }
0x2c: {  	p1 =	sne.s32 s10, $0x500  }
.Ltmp1:
0x2d: {  	_ = 	snop;
	(pc) =	sbr.rel @p1 .LBB2_4-.Ltmp1, $2  }
0x2e: {  	_ =	sdelay $0x2  }
0x2f: {  	s11 =	sadd.s32 $0x200, s11;
	[tilespmem:v1+s12+$0x0] =	vst.idx.add.f32.msk @!p0 $0xffff, v2  }
0x30: {  	s3 =	sadd.s32 $0x1, s3  }
0x31: {  	p0 =	sne.s32 s3, s5  }
.Ltmp2:
0x32: {  	_ = 	snop;
	(pc) =	sbr.rel @p0 .LBB2_1-.Ltmp2, $4  }
0x33: {  	[hbm4b:s4+s8] =	stream.strided.scatter [tilespmem:s8], [sflag:$0x1], $0x2800, s7, s8, $0x38;
	[tilespmem:$0x2880] =	vst v63  }
0x34: {  	_ =	swait.ge [sflag:s9], $0x2800  }
0x35: {  	[sflag:s9] =	ssyncset.done $0x0  }
0x36: {  	[sflag:s9] =	ssyncadd.s32 $0xFFFFD800  }
0x37: {  	_ =	sfence.sel $0x180000  }
0x38: {  	[bflag:$0x0] =	sbarrier.arrive $0xFFFF  }
0x39: {  	p0 =	sne.s32 s0, $0x0;
	_ =	strace $0x90000047  }
0x3a: {  	s0 =	sadd.s32 @!p0 $0x100000, s1;
	[bflag:$0x2] =	sbarrier.arrive $0xFFFF  }
0x3b: {  	[sflag:s0] =	ssyncadd.tile.s32 @!p0 $0x1;
	_ =	shalt  }
.Lfunc_end2:
_tile_overlayer_lowered:
.L_overlay_start_2:
0x3c: {  	(tag) =	ssettag $0x2  }
0x3d: {  	s0 =	rddreg [dreg:$0x0];
	s2 =	stileid.u32  }
0x3e: {  	s1 =	rddreg [dreg:$0x1];
	p0 =	sne.s32 s2, $0x0  }
0x3f: {  	s3 =	rddreg [dreg:$0x2];
	[bflag:$0x3] =	sbarrier.arrive $0xFFFF;
	s2 =	simm.s32 @!p0 $0x1C01  }
0x40: {  	[timem:s3], [sflag:s2] =	dma.local @!p0 [hbm:s0], s1  }
0x41: {  	s0 =	simm.s32 @!p0 $0x1  }
0x42: {  	_ =	swait.ge @!p0 [sflag:s0], s1  }
0x43: {  	s1 =	ssub.s32 @!p0 $0x0, s1;
	[sflag:s0] =	ssyncset.done @!p0 $0x0  }
0x44: {  	[sflag:s0] =	ssyncadd.s32 @!p0 s1  }
0x45: {  	[bflag:$0x3] =	sbarrier.arrive $0xFFFF  }
0x46: {  	_ =	shalt  }

</sc_bundles>
